<compile_context>
chip_gen: v7x
topology: tpu7x:2x2x1
jax: 0.10.2.dev20260603
libtpu: 0.0.44.dev20260713+nightly
codegen_flags: <defaults>
</compile_context>

<pallas_src>
import functools

import jax
import jax.numpy as jnp
from jax import lax
from jax.experimental import pallas as pl
from jax.experimental.pallas import tpu as pltpu
from jax.experimental.pallas import tpu_sc as plsc

N = 10000
E = 320000
D_IN = 128
D_E = 16
D_OUT = 128

NC = 2
NS = 16
NW = NC * NS
EPW = E // NW
EPT = E // NS
K = 80
NCHUNK_A = EPW // K
NCHUNK_S = EPT // K
NPAD = 10240
RPT = NPAD // NS


def _sc_a_body(src_hbm, dst_hbm, nf_hbm, a0_out, a1_out,
               sidx, didx, rows, a_sh, sem):
    c_id = lax.axis_index("c")
    s_id = lax.axis_index("s")
    wid = c_id * NS + s_id

    zvec = jnp.zeros((16,), jnp.float32)

    def fill_rows(i, _):
        rows[i // 8, pl.ds((i % 8) * 16, 16)] = zvec
        return 0
    lax.fori_loop(0, K * 8, fill_rows, 0)

    row0 = s_id * RPT
    for j in range(RPT // K):
        pltpu.sync_copy(rows, a_sh.at[pl.ds(row0 + j * K, K)])
    plsc.subcore_barrier()

    ebase = wid * EPW

    def chunk_a(i, _):
        base = ebase + i * K
        pltpu.sync_copy(src_hbm.at[pl.ds(base, K)], sidx)
        pltpu.sync_copy(dst_hbm.at[pl.ds(base, K)], didx)
        pltpu.async_copy(nf_hbm.at[sidx], rows, sem).wait()
        pltpu.sync_copy(rows, a_sh.at[didx], add=True)
        return 0

    lax.fori_loop(0, NCHUNK_A, chunk_a, 0)
    plsc.subcore_barrier()

    @pl.when(c_id == 0)
    def _():
        pltpu.sync_copy(a_sh.at[pl.ds(row0, RPT)], a0_out.at[pl.ds(row0, RPT)])

    @pl.when(c_id == 1)
    def _():
        pltpu.sync_copy(a_sh.at[pl.ds(row0, RPT)], a1_out.at[pl.ds(row0, RPT)])


_sc_a = functools.partial(
    pl.kernel,
    out_type=[
        jax.ShapeDtypeStruct((NPAD, D_IN), jnp.float32),
        jax.ShapeDtypeStruct((NPAD, D_IN), jnp.float32),
    ],
    mesh=plsc.VectorSubcoreMesh(core_axis_name="c", subcore_axis_name="s"),
    scratch_types=[
        pltpu.VMEM((K,), jnp.int32),
        pltpu.VMEM((K,), jnp.int32),
        pltpu.VMEM((K, D_IN), jnp.float32),
        pltpu.VMEM_SHARED((NPAD, D_IN), jnp.float32),
        pltpu.SemaphoreType.DMA,
    ],
)(_sc_a_body)


def _sc_bd_body(dst_hbm, ef_hbm, b_out, d_out,
                didx, erows, ones_rows, bd_sh, sem):
    c_id = lax.axis_index("c")
    s_id = lax.axis_index("s")

    zvec = jnp.zeros((16,), jnp.float32)

    def fill_erows(i, _):
        erows[i, :] = zvec
        return 0
    lax.fori_loop(0, K, fill_erows, 0)

    onevec = jnp.where(lax.iota(jnp.int32, 16) == 0, 1.0, 0.0).astype(jnp.float32)

    def fill_ones(i, _):
        ones_rows[i, :] = onevec
        return 0
    lax.fori_loop(0, K, fill_ones, 0)

    row0 = s_id * RPT
    for j in range(RPT // K):
        pltpu.sync_copy(erows, bd_sh.at[pl.ds(row0 + j * K, K)])
    plsc.subcore_barrier()

    ebase = s_id * EPT

    @pl.when(c_id == 0)
    def _():
        def chunk_b(i, _):
            base = ebase + i * K
            pltpu.sync_copy(dst_hbm.at[pl.ds(base, K)], didx)
            pltpu.sync_copy(ef_hbm.at[pl.ds(base, K)], erows)
            pltpu.sync_copy(erows, bd_sh.at[didx], add=True)
            return 0
        lax.fori_loop(0, NCHUNK_S, chunk_b, 0)

    @pl.when(c_id == 1)
    def _():
        def chunk_d(i, _):
            base = ebase + i * K
            pltpu.sync_copy(dst_hbm.at[pl.ds(base, K)], didx)
            pltpu.sync_copy(ones_rows, bd_sh.at[didx], add=True)
            return 0
        lax.fori_loop(0, NCHUNK_S, chunk_d, 0)

    plsc.subcore_barrier()

    @pl.when(c_id == 0)
    def _():
        pltpu.sync_copy(bd_sh.at[pl.ds(row0, RPT)], b_out.at[pl.ds(row0, RPT)])

    @pl.when(c_id == 1)
    def _():
        pltpu.sync_copy(bd_sh.at[pl.ds(row0, RPT)], d_out.at[pl.ds(row0, RPT)])


_sc_bd = functools.partial(
    pl.kernel,
    out_type=[
        jax.ShapeDtypeStruct((NPAD, D_E), jnp.float32),
        jax.ShapeDtypeStruct((NPAD, 16), jnp.float32),
    ],
    mesh=plsc.VectorSubcoreMesh(core_axis_name="c", subcore_axis_name="s"),
    scratch_types=[
        pltpu.VMEM((K,), jnp.int32),
        pltpu.VMEM((K, D_E), jnp.float32),
        pltpu.VMEM((K, 16), jnp.float32),
        pltpu.VMEM_SHARED((NPAD, 16), jnp.float32),
        pltpu.SemaphoreType.DMA,
    ],
)(_sc_bd_body)


M_BLK = 2000


def _tc_body(a0, a1, b, d, x, wm1t, wm2t, bm, wa1t, wa2t, ba, out):
    hp = jax.lax.Precision.HIGHEST
    a = a0[...] + a1[...]
    dcol = d[:, 0:1]
    num = (jnp.dot(a, wm1t[...], precision=hp, preferred_element_type=jnp.float32)
           + jnp.dot(b[...], wm2t[...], precision=hp, preferred_element_type=jnp.float32)
           + dcol * bm[...])
    h = num / jnp.maximum(dcol, 1.0)
    act = (jnp.dot(x[...], wa1t[...], precision=hp, preferred_element_type=jnp.float32)
           + jnp.dot(h, wa2t[...], precision=hp, preferred_element_type=jnp.float32)
           + ba[...])
    out[...] = jnp.maximum(act, 0.0)


def _tc_apply(a0, a1, b, d, x, wm1t, wm2t, bm, wa1t, wa2t, ba):
    full = lambda s: pl.BlockSpec(s, lambda i: (0,) * len(s))
    return pl.pallas_call(
        _tc_body,
        grid=(N // M_BLK,),
        in_specs=[
            pl.BlockSpec((M_BLK, D_IN), lambda i: (i, 0)),
            pl.BlockSpec((M_BLK, D_IN), lambda i: (i, 0)),
            pl.BlockSpec((M_BLK, D_E), lambda i: (i, 0)),
            pl.BlockSpec((M_BLK, 16), lambda i: (i, 0)),
            pl.BlockSpec((M_BLK, D_IN), lambda i: (i, 0)),
            full((D_IN, D_OUT)),
            full((D_E, D_OUT)),
            full((1, D_OUT)),
            full((D_IN, D_OUT)),
            full((D_OUT, D_OUT)),
            full((1, D_OUT)),
        ],
        out_specs=pl.BlockSpec((M_BLK, D_OUT), lambda i: (i, 0)),
        out_shape=jax.ShapeDtypeStruct((N, D_OUT), jnp.float32),
    )(a0, a1, b, d, x, wm1t, wm2t, bm, wa1t, wa2t, ba)


def kernel(nfeats, efeats, edge_index, W_msg, b_msg, W_apply, b_apply):
    nf = nfeats.reshape(N, D_IN)
    ef = efeats.reshape(E, D_E)
    src = edge_index[0]
    dst = edge_index[1]

    a0, a1 = _sc_a(src, dst, nf)
    b, d = _sc_bd(dst, ef)

    wm1t = W_msg[:, :D_IN].T
    wm2t = W_msg[:, D_IN:].T
    wa1t = W_apply[:, :D_IN].T
    wa2t = W_apply[:, D_IN:].T
    bm = b_msg.reshape(1, D_OUT)
    ba = b_apply.reshape(1, D_OUT)

    out = _tc_apply(a0, a1, b, d, nf, wm1t, wm2t, bm, wa1t, wa2t, ba)
    return out.reshape(N, 1, D_OUT)

# --- scband reference (transcript-rebuilt; emitter-appended) ---
"""Pipeline reference for scband-sagelayer-6545530159693 (READ-ONLY COPY).

The authoritative reference and input builder live on the scoring server;
editing this copy changes nothing except your own understanding.
"""

import jax, jax.numpy as jnp
import numpy as np

N = 10000
E = 320000
D_IN = 128
D_E = 16
D_OUT = 128


def setup_inputs(seed: int = 0) -> dict:
    key = jax.random.key(seed)
    k1, k2, k3, k4, k5 = jax.random.split(key, 5)
    nfeats = jax.random.normal(k1, (N, 1, D_IN), dtype=jnp.float32)
    efeats = jax.random.normal(k2, (E, 1, D_E), dtype=jnp.float32)
    edge_index = jax.random.randint(k3, (2, E), 0, N, dtype=jnp.int32)
    # Learned params (torch nn.Linear convention: weight [out, in])
    W_msg = jax.random.normal(k4, (D_OUT, D_IN + D_E), dtype=jnp.float32) * 0.05
    b_msg = jnp.zeros((D_OUT,), dtype=jnp.float32)
    W_apply = jax.random.normal(k5, (D_OUT, D_IN + D_OUT), dtype=jnp.float32) * 0.05
    b_apply = jnp.zeros((D_OUT,), dtype=jnp.float32)
    return {
        "nfeats": nfeats,
        "efeats": efeats,
        "edge_index": edge_index,
        "W_msg": W_msg,
        "b_msg": b_msg,
        "W_apply": W_apply,
        "b_apply": b_apply,
    }


def reference(nfeats, efeats, edge_index, W_msg, b_msg, W_apply, b_apply):
    src = edge_index[0]
    dst = edge_index[1]
    # message: W_msg(cat([src_h, edge_h], dim=2)) over every edge
    src_h = jnp.take(nfeats, src, axis=0)            # [E, 1, D_IN] gather
    msg_in = jnp.concatenate([src_h, efeats], axis=2)  # [E, 1, D_IN + D_E]
    m = msg_in @ W_msg.T + b_msg                     # [E, 1, D_OUT]
    # mean aggregation by destination node (fn.mean('m', 'h_neigh'))
    seg_sum = jax.ops.segment_sum(m, dst, num_segments=N)            # [N, 1, D_OUT] scatter-add
    deg = jax.ops.segment_sum(jnp.ones((E,), dtype=jnp.float32), dst, num_segments=N)
    h_neigh = seg_sum / jnp.clip(deg, 1.0)[:, None, None]
    # apply: relu(W_apply(cat([h, h_neigh], dim=2)))
    apply_in = jnp.concatenate([nfeats, h_neigh], axis=2)  # [N, 1, D_IN + D_OUT]
    h_new = jax.nn.relu(apply_in @ W_apply.T + b_apply)    # [N, 1, D_OUT]
    return h_new

if __name__ == "__main__":
    import jax
    _d = setup_inputs()
    print(jax.jit(kernel)(*tuple(_d.values())))

</pallas_src>

<mosaic_0001>
#map = affine_map<(d0, d1) -> (0)>
#map1 = affine_map<(d0, d1) -> (0, 0)>
module attributes {stable_mosaic.version = 14 : i64} {
  func.func @_sc_bd_body(%arg0: i32, %arg1: i32, %arg2: memref<320000xi32, #tpu.memory_space<hbm>>, %arg3: memref<320000x16xf32, #tpu.memory_space<hbm>>, %arg4: memref<10240x16xf32, #tpu.memory_space<hbm>>, %arg5: memref<10240x16xf32, #tpu.memory_space<hbm>>, %arg6: memref<80xi32, #tpu.memory_space<vmem>>, %arg7: memref<80x16xf32, #tpu.memory_space<vmem>>, %arg8: memref<80x16xf32, #tpu.memory_space<vmem>>, %arg9: memref<10240x16xf32, #tpu.memory_space<vmem_shared>>, %arg10: memref<!tpu.dma_semaphore, #tpu.memory_space<semaphore_mem>>) attributes {dimension_semantics = [#tpu.dimension_semantics<core_parallel>, #tpu.dimension_semantics<subcore_parallel>], iteration_bounds = array<i64: 2, 16>, scalar_prefetch = 0 : i64, scratch_operands = 5 : i64, tpu.core_type = #tpu.core_type<sc_vector_subcore>, window_params = [{transform_indices = #map}, {transform_indices = #map1}, {transform_indices = #map1}, {transform_indices = #map1}]} {
    %broadcast_in_dim3A = arith.constant 0.000000e+00 : f32
    %broadcast_in_dim3A_0 = vector.broadcast %broadcast_in_dim3A : f32 to vector<16xf32>
    %scan3A = arith.constant 0 : i32
    %scan3A_1 = arith.constant 0 : i32
    %scan3A_2 = arith.constant 80 : i32
    %scan3A_3 = arith.addi %scan3A_1, %scan3A_2 : i32
    %scan3A_4 = arith.constant 1 : i32
    %scan3A_5 = scf.for %scan3A_56 = %scan3A_1 to %scan3A_3 step %scan3A_4 iter_args(%scan3A_57 = %scan3A) -> (i32)  : i32 {
      %swap3A = arith.index_cast %scan3A_56 : i32 to index
      %swap3A_58 = arith.constant 0 : index
      %swap3A_59 = tpu.vector_load %arg7[%swap3A, %swap3A_58] {strides = array<i32>} : memref<80x16xf32, #tpu.memory_space<vmem>>, vector<1x16xf32>,
      %swap3A_60 = vector.shape_cast %swap3A_59 : vector<1x16xf32> to vector<16xf32>
      %swap3A_61 = vector.shape_cast %broadcast_in_dim3A_0 : vector<16xf32> to vector<1x16xf32>
      tpu.vector_store %arg7[%swap3A, %swap3A_58], %swap3A_61 {strides = array<i32>} : memref<80x16xf32, #tpu.memory_space<vmem>>, vector<1x16xf32>,
      %scan3A_62 = arith.constant 0 : i32
      scf.yield %scan3A_62 : i32
    }
    %scan3A_6 = arith.constant 80 : i32
    %iota3A = tpu.iota {dimensions = array<i32: 0>} : vector<16xi32>
    %eq3A = arith.constant 0 : i32
    %eq3A_7 = vector.broadcast %eq3A : i32 to vector<16xi32>
    %eq3A_8 = arith.cmpi eq, %iota3A, %eq3A_7 : vector<16xi32>
    %jit3A = arith.constant 1.000000e+00 : f32
    %jit3A_9 = arith.constant 0.000000e+00 : f32
    %broadcast_in_dim3A_10 = vector.broadcast %jit3A : f32 to vector<16xf32>
    %broadcast_in_dim3A_11 = vector.broadcast %jit3A_9 : f32 to vector<16xf32>
    %select_n3A = arith.select %eq3A_8, %broadcast_in_dim3A_10, %broadcast_in_dim3A_11 : vector<16xi1>, vector<16xf32>
    %scan3A_12 = arith.constant 0 : i32
    %scan3A_13 = arith.constant 0 : i32
    %scan3A_14 = arith.constant 80 : i32
    %scan3A_15 = arith.addi %scan3A_13, %scan3A_14 : i32
    %scan3A_16 = arith.constant 1 : i32
    %scan3A_17 = scf.for %scan3A_56 = %scan3A_13 to %scan3A_15 step %scan3A_16 iter_args(%scan3A_57 = %scan3A_12) -> (i32)  : i32 {
      %swap3A = arith.index_cast %scan3A_56 : i32 to index
      %swap3A_58 = arith.constant 0 : index
      %swap3A_59 = tpu.vector_load %arg8[%swap3A, %swap3A_58] {strides = array<i32>} : memref<80x16xf32, #tpu.memory_space<vmem>>, vector<1x16xf32>,
      %swap3A_60 = vector.shape_cast %swap3A_59 : vector<1x16xf32> to vector<16xf32>
      %swap3A_61 = vector.shape_cast %select_n3A : vector<16xf32> to vector<1x16xf32>
      tpu.vector_store %arg8[%swap3A, %swap3A_58], %swap3A_61 {strides = array<i32>} : memref<80x16xf32, #tpu.memory_space<vmem>>, vector<1x16xf32>,
      %scan3A_62 = arith.constant 0 : i32
      scf.yield %scan3A_62 : i32
    }
    %scan3A_18 = arith.constant 80 : i32
    %mul3A = arith.constant 640 : i32
    %mul3A_19 = arith.muli %arg1, %mul3A : i32
    %add3A = arith.constant 0 : i32
    %add3A_20 = arith.addi %mul3A_19, %add3A : i32
    "tpu.region"() ({
      %run_scoped3A = tpu.sem_alloc : memref<!tpu.dma_semaphore, #tpu.memory_space<semaphore_mem>>
      %dma_start3A = arith.constant 0 : i32
      %dma_start3A_56 = tpu.memref_slice %arg9[%add3A_20, %dma_start3A] : memref<10240x16xf32, #tpu.memory_space<vmem_shared>> -> memref<80x16xf32, #tpu.memory_space<vmem_shared>>
      %dma_start3A_57 = arith.constant 0 : i32
      %dma_start3A_58 = tpu.memref_slice %arg9[%add3A_20, %dma_start3A_57] : memref<10240x16xf32, #tpu.memory_space<vmem_shared>> -> memref<80x16xf32, #tpu.memory_space<vmem_shared>>
      tpu.enqueue_dma source(%arg7 : memref<80x16xf32, #tpu.memory_space<vmem>>) target(%dma_start3A_58 : memref<80x16xf32, #tpu.memory_space<vmem_shared>>) target_semaphore(%run_scoped3A : memref<!tpu.dma_semaphore, #tpu.memory_space<semaphore_mem>>)
      %dma_wait3A = arith.constant 0 : i32
      %dma_wait3A_59 = tpu.memref_slice %arg9[%add3A_20, %dma_wait3A] : memref<10240x16xf32, #tpu.memory_space<vmem_shared>> -> memref<80x16xf32, #tpu.memory_space<vmem_shared>>
      %dma_wait3A_60 = arith.constant 0 : i32
      %dma_wait3A_61 = tpu.memref_slice %arg9[%add3A_20, %dma_wait3A_60] : memref<10240x16xf32, #tpu.memory_space<vmem_shared>> -> memref<80x16xf32, #tpu.memory_space<vmem_shared>>
      tpu.wait_dma2 semaphore(%run_scoped3A : memref<!tpu.dma_semaphore, #tpu.memory_space<semaphore_mem>>) src(%arg7 : memref<80x16xf32, #tpu.memory_space<vmem>>) dst(%dma_wait3A_61 : memref<80x16xf32, #tpu.memory_space<vmem_shared>>)
      tpu.yield
    }) : () -> ()
    %add3A_21 = arith.constant 80 : i32
    %add3A_22 = arith.addi %mul3A_19, %add3A_21 : i32
    "tpu.region"() ({
      %run_scoped3A = tpu.sem_alloc : memref<!tpu.dma_semaphore, #tpu.memory_space<semaphore_mem>>
      %dma_start3A = arith.constant 0 : i32
      %dma_start3A_56 = tpu.memref_slice %arg9[%add3A_22, %dma_start3A] : memref<10240x16xf32, #tpu.memory_space<vmem_shared>> -> memref<80x16xf32, #tpu.memory_space<vmem_shared>>
      %dma_start3A_57 = arith.constant 0 : i32
      %dma_start3A_58 = tpu.memref_slice %arg9[%add3A_22, %dma_start3A_57] : memref<10240x16xf32, #tpu.memory_space<vmem_shared>> -> memref<80x16xf32, #tpu.memory_space<vmem_shared>>
      tpu.enqueue_dma source(%arg7 : memref<80x16xf32, #tpu.memory_space<vmem>>) target(%dma_start3A_58 : memref<80x16xf32, #tpu.memory_space<vmem_shared>>) target_semaphore(%run_scoped3A : memref<!tpu.dma_semaphore, #tpu.memory_space<semaphore_mem>>)
      %dma_wait3A = arith.constant 0 : i32
      %dma_wait3A_59 = tpu.memref_slice %arg9[%add3A_22, %dma_wait3A] : memref<10240x16xf32, #tpu.memory_space<vmem_shared>> -> memref<80x16xf32, #tpu.memory_space<vmem_shared>>
      %dma_wait3A_60 = arith.constant 0 : i32
      %dma_wait3A_61 = tpu.memref_slice %arg9[%add3A_22, %dma_wait3A_60] : memref<10240x16xf32, #tpu.memory_space<vmem_shared>> -> memref<80x16xf32, #tpu.memory_space<vmem_shared>>
      tpu.wait_dma2 semaphore(%run_scoped3A : memref<!tpu.dma_semaphore, #tpu.memory_space<semaphore_mem>>) src(%arg7 : memref<80x16xf32, #tpu.memory_space<vmem>>) dst(%dma_wait3A_61 : memref<80x16xf32, #tpu.memory_space<vmem_shared>>)
      tpu.yield
    }) : () -> ()
    %add3A_23 = arith.constant 160 : i32
    %add3A_24 = arith.addi %mul3A_19, %add3A_23 : i32
    "tpu.region"() ({
      %run_scoped3A = tpu.sem_alloc : memref<!tpu.dma_semaphore, #tpu.memory_space<semaphore_mem>>
      %dma_start3A = arith.constant 0 : i32
      %dma_start3A_56 = tpu.memref_slice %arg9[%add3A_24, %dma_start3A] : memref<10240x16xf32, #tpu.memory_space<vmem_shared>> -> memref<80x16xf32, #tpu.memory_space<vmem_shared>>
      %dma_start3A_57 = arith.constant 0 : i32
      %dma_start3A_58 = tpu.memref_slice %arg9[%add3A_24, %dma_start3A_57] : memref<10240x16xf32, #tpu.memory_space<vmem_shared>> -> memref<80x16xf32, #tpu.memory_space<vmem_shared>>
      tpu.enqueue_dma source(%arg7 : memref<80x16xf32, #tpu.memory_space<vmem>>) target(%dma_start3A_58 : memref<80x16xf32, #tpu.memory_space<vmem_shared>>) target_semaphore(%run_scoped3A : memref<!tpu.dma_semaphore, #tpu.memory_space<semaphore_mem>>)
      %dma_wait3A = arith.constant 0 : i32
      %dma_wait3A_59 = tpu.memref_slice %arg9[%add3A_24, %dma_wait3A] : memref<10240x16xf32, #tpu.memory_space<vmem_shared>> -> memref<80x16xf32, #tpu.memory_space<vmem_shared>>
      %dma_wait3A_60 = arith.constant 0 : i32
      %dma_wait3A_61 = tpu.memref_slice %arg9[%add3A_24, %dma_wait3A_60] : memref<10240x16xf32, #tpu.memory_space<vmem_shared>> -> memref<80x16xf32, #tpu.memory_space<vmem_shared>>
      tpu.wait_dma2 semaphore(%run_scoped3A : memref<!tpu.dma_semaphore, #tpu.memory_space<semaphore_mem>>) src(%arg7 : memref<80x16xf32, #tpu.memory_space<vmem>>) dst(%dma_wait3A_61 : memref<80x16xf32, #tpu.memory_space<vmem_shared>>)
      tpu.yield
    }) : () -> ()
    %add3A_25 = arith.constant 240 : i32
    %add3A_26 = arith.addi %mul3A_19, %add3A_25 : i32
    "tpu.region"() ({
      %run_scoped3A = tpu.sem_alloc : memref<!tpu.dma_semaphore, #tpu.memory_space<semaphore_mem>>
      %dma_start3A = arith.constant 0 : i32
      %dma_start3A_56 = tpu.memref_slice %arg9[%add3A_26, %dma_start3A] : memref<10240x16xf32, #tpu.memory_space<vmem_shared>> -> memref<80x16xf32, #tpu.memory_space<vmem_shared>>
      %dma_start3A_57 = arith.constant 0 : i32
      %dma_start3A_58 = tpu.memref_slice %arg9[%add3A_26, %dma_start3A_57] : memref<10240x16xf32, #tpu.memory_space<vmem_shared>> -> memref<80x16xf32, #tpu.memory_space<vmem_shared>>
      tpu.enqueue_dma source(%arg7 : memref<80x16xf32, #tpu.memory_space<vmem>>) target(%dma_start3A_58 : memref<80x16xf32, #tpu.memory_space<vmem_shared>>) target_semaphore(%run_scoped3A : memref<!tpu.dma_semaphore, #tpu.memory_space<semaphore_mem>>)
      %dma_wait3A = arith.constant 0 : i32
      %dma_wait3A_59 = tpu.memref_slice %arg9[%add3A_26, %dma_wait3A] : memref<10240x16xf32, #tpu.memory_space<vmem_shared>> -> memref<80x16xf32, #tpu.memory_space<vmem_shared>>
      %dma_wait3A_60 = arith.constant 0 : i32
      %dma_wait3A_61 = tpu.memref_slice %arg9[%add3A_26, %dma_wait3A_60] : memref<10240x16xf32, #tpu.memory_space<vmem_shared>> -> memref<80x16xf32, #tpu.memory_space<vmem_shared>>
      tpu.wait_dma2 semaphore(%run_scoped3A : memref<!tpu.dma_semaphore, #tpu.memory_space<semaphore_mem>>) src(%arg7 : memref<80x16xf32, #tpu.memory_space<vmem>>) dst(%dma_wait3A_61 : memref<80x16xf32, #tpu.memory_space<vmem_shared>>)
      tpu.yield
    }) : () -> ()
    %add3A_27 = arith.constant 320 : i32
    %add3A_28 = arith.addi %mul3A_19, %add3A_27 : i32
    "tpu.region"() ({
      %run_scoped3A = tpu.sem_alloc : memref<!tpu.dma_semaphore, #tpu.memory_space<semaphore_mem>>
      %dma_start3A = arith.constant 0 : i32
      %dma_start3A_56 = tpu.memref_slice %arg9[%add3A_28, %dma_start3A] : memref<10240x16xf32, #tpu.memory_space<vmem_shared>> -> memref<80x16xf32, #tpu.memory_space<vmem_shared>>
      %dma_start3A_57 = arith.constant 0 : i32
      %dma_start3A_58 = tpu.memref_slice %arg9[%add3A_28, %dma_start3A_57] : memref<10240x16xf32, #tpu.memory_space<vmem_shared>> -> memref<80x16xf32, #tpu.memory_space<vmem_shared>>
      tpu.enqueue_dma source(%arg7 : memref<80x16xf32, #tpu.memory_space<vmem>>) target(%dma_start3A_58 : memref<80x16xf32, #tpu.memory_space<vmem_shared>>) target_semaphore(%run_scoped3A : memref<!tpu.dma_semaphore, #tpu.memory_space<semaphore_mem>>)
      %dma_wait3A = arith.constant 0 : i32
      %dma_wait3A_59 = tpu.memref_slice %arg9[%add3A_28, %dma_wait3A] : memref<10240x16xf32, #tpu.memory_space<vmem_shared>> -> memref<80x16xf32, #tpu.memory_space<vmem_shared>>
      %dma_wait3A_60 = arith.constant 0 : i32
      %dma_wait3A_61 = tpu.memref_slice %arg9[%add3A_28, %dma_wait3A_60] : memref<10240x16xf32, #tpu.memory_space<vmem_shared>> -> memref<80x16xf32, #tpu.memory_space<vmem_shared>>
      tpu.wait_dma2 semaphore(%run_scoped3A : memref<!tpu.dma_semaphore, #tpu.memory_space<semaphore_mem>>) src(%arg7 : memref<80x16xf32, #tpu.memory_space<vmem>>) dst(%dma_wait3A_61 : memref<80x16xf32, #tpu.memory_space<vmem_shared>>)
      tpu.yield
    }) : () -> ()
    %add3A_29 = arith.constant 400 : i32
    %add3A_30 = arith.addi %mul3A_19, %add3A_29 : i32
    "tpu.region"() ({
      %run_scoped3A = tpu.sem_alloc : memref<!tpu.dma_semaphore, #tpu.memory_space<semaphore_mem>>
      %dma_start3A = arith.constant 0 : i32
      %dma_start3A_56 = tpu.memref_slice %arg9[%add3A_30, %dma_start3A] : memref<10240x16xf32, #tpu.memory_space<vmem_shared>> -> memref<80x16xf32, #tpu.memory_space<vmem_shared>>
      %dma_start3A_57 = arith.constant 0 : i32
      %dma_start3A_58 = tpu.memref_slice %arg9[%add3A_30, %dma_start3A_57] : memref<10240x16xf32, #tpu.memory_space<vmem_shared>> -> memref<80x16xf32, #tpu.memory_space<vmem_shared>>
      tpu.enqueue_dma source(%arg7 : memref<80x16xf32, #tpu.memory_space<vmem>>) target(%dma_start3A_58 : memref<80x16xf32, #tpu.memory_space<vmem_shared>>) target_semaphore(%run_scoped3A : memref<!tpu.dma_semaphore, #tpu.memory_space<semaphore_mem>>)
      %dma_wait3A = arith.constant 0 : i32
      %dma_wait3A_59 = tpu.memref_slice %arg9[%add3A_30, %dma_wait3A] : memref<10240x16xf32, #tpu.memory_space<vmem_shared>> -> memref<80x16xf32, #tpu.memory_space<vmem_shared>>
      %dma_wait3A_60 = arith.constant 0 : i32
      %dma_wait3A_61 = tpu.memref_slice %arg9[%add3A_30, %dma_wait3A_60] : memref<10240x16xf32, #tpu.memory_space<vmem_shared>> -> memref<80x16xf32, #tpu.memory_space<vmem_shared>>
      tpu.wait_dma2 semaphore(%run_scoped3A : memref<!tpu.dma_semaphore, #tpu.memory_space<semaphore_mem>>) src(%arg7 : memref<80x16xf32, #tpu.memory_space<vmem>>) dst(%dma_wait3A_61 : memref<80x16xf32, #tpu.memory_space<vmem_shared>>)
      tpu.yield
    }) : () -> ()
    %add3A_31 = arith.constant 480 : i32
    %add3A_32 = arith.addi %mul3A_19, %add3A_31 : i32
    "tpu.region"() ({
      %run_scoped3A = tpu.sem_alloc : memref<!tpu.dma_semaphore, #tpu.memory_space<semaphore_mem>>
      %dma_start3A = arith.constant 0 : i32
      %dma_start3A_56 = tpu.memref_slice %arg9[%add3A_32, %dma_start3A] : memref<10240x16xf32, #tpu.memory_space<vmem_shared>> -> memref<80x16xf32, #tpu.memory_space<vmem_shared>>
      %dma_start3A_57 = arith.constant 0 : i32
      %dma_start3A_58 = tpu.memref_slice %arg9[%add3A_32, %dma_start3A_57] : memref<10240x16xf32, #tpu.memory_space<vmem_shared>> -> memref<80x16xf32, #tpu.memory_space<vmem_shared>>
      tpu.enqueue_dma source(%arg7 : memref<80x16xf32, #tpu.memory_space<vmem>>) target(%dma_start3A_58 : memref<80x16xf32, #tpu.memory_space<vmem_shared>>) target_semaphore(%run_scoped3A : memref<!tpu.dma_semaphore, #tpu.memory_space<semaphore_mem>>)
      %dma_wait3A = arith.constant 0 : i32
      %dma_wait3A_59 = tpu.memref_slice %arg9[%add3A_32, %dma_wait3A] : memref<10240x16xf32, #tpu.memory_space<vmem_shared>> -> memref<80x16xf32, #tpu.memory_space<vmem_shared>>
      %dma_wait3A_60 = arith.constant 0 : i32
      %dma_wait3A_61 = tpu.memref_slice %arg9[%add3A_32, %dma_wait3A_60] : memref<10240x16xf32, #tpu.memory_space<vmem_shared>> -> memref<80x16xf32, #tpu.memory_space<vmem_shared>>
      tpu.wait_dma2 semaphore(%run_scoped3A : memref<!tpu.dma_semaphore, #tpu.memory_space<semaphore_mem>>) src(%arg7 : memref<80x16xf32, #tpu.memory_space<vmem>>) dst(%dma_wait3A_61 : memref<80x16xf32, #tpu.memory_space<vmem_shared>>)
      tpu.yield
    }) : () -> ()
    %add3A_33 = arith.constant 560 : i32
    %add3A_34 = arith.addi %mul3A_19, %add3A_33 : i32
    "tpu.region"() ({
      %run_scoped3A = tpu.sem_alloc : memref<!tpu.dma_semaphore, #tpu.memory_space<semaphore_mem>>
      %dma_start3A = arith.constant 0 : i32
      %dma_start3A_56 = tpu.memref_slice %arg9[%add3A_34, %dma_start3A] : memref<10240x16xf32, #tpu.memory_space<vmem_shared>> -> memref<80x16xf32, #tpu.memory_space<vmem_shared>>
      %dma_start3A_57 = arith.constant 0 : i32
      %dma_start3A_58 = tpu.memref_slice %arg9[%add3A_34, %dma_start3A_57] : memref<10240x16xf32, #tpu.memory_space<vmem_shared>> -> memref<80x16xf32, #tpu.memory_space<vmem_shared>>
      tpu.enqueue_dma source(%arg7 : memref<80x16xf32, #tpu.memory_space<vmem>>) target(%dma_start3A_58 : memref<80x16xf32, #tpu.memory_space<vmem_shared>>) target_semaphore(%run_scoped3A : memref<!tpu.dma_semaphore, #tpu.memory_space<semaphore_mem>>)
      %dma_wait3A = arith.constant 0 : i32
      %dma_wait3A_59 = tpu.memref_slice %arg9[%add3A_34, %dma_wait3A] : memref<10240x16xf32, #tpu.memory_space<vmem_shared>> -> memref<80x16xf32, #tpu.memory_space<vmem_shared>>
      %dma_wait3A_60 = arith.constant 0 : i32
      %dma_wait3A_61 = tpu.memref_slice %arg9[%add3A_34, %dma_wait3A_60] : memref<10240x16xf32, #tpu.memory_space<vmem_shared>> -> memref<80x16xf32, #tpu.memory_space<vmem_shared>>
      tpu.wait_dma2 semaphore(%run_scoped3A : memref<!tpu.dma_semaphore, #tpu.memory_space<semaphore_mem>>) src(%arg7 : memref<80x16xf32, #tpu.memory_space<vmem>>) dst(%dma_wait3A_61 : memref<80x16xf32, #tpu.memory_space<vmem_shared>>)
      tpu.yield
    }) : () -> ()
    %barrier3A = arith.constant 0 : index
    tpu.barrier barrier_id(%barrier3A)
    %mul3A_35 = arith.constant 20000 : i32
    %mul3A_36 = arith.muli %arg1, %mul3A_35 : i32
    %eq3A_37 = arith.constant 0 : i32
    %eq3A_38 = arith.cmpi eq, %arg0, %eq3A_37 : i32
    %convert_element_type3A = arith.extui %eq3A_38 : i1 to i32
    %cond3A = arith.constant 0 : i32
    %cond3A_39 = arith.cmpi ne, %convert_element_type3A, %cond3A : i32
    scf.if %cond3A_39 {
      %scan3A_56 = arith.constant 0 : i32
      %scan3A_57 = arith.constant 0 : i32
      %scan3A_58 = arith.constant 250 : i32
      %scan3A_59 = arith.addi %scan3A_57, %scan3A_58 : i32
      %scan3A_60 = arith.constant 1 : i32
      %scan3A_61 = scf.for %scan3A_63 = %scan3A_57 to %scan3A_59 step %scan3A_60 iter_args(%scan3A_64 = %scan3A_56) -> (i32)  : i32 {
        %mul3A_65 = arith.constant 80 : i32
        %mul3A_66 = arith.muli %scan3A_63, %mul3A_65 : i32
        %add3A_67 = arith.addi %mul3A_36, %mul3A_66 : i32
        "tpu.region"() ({
          %run_scoped3A = tpu.sem_alloc : memref<!tpu.dma_semaphore, #tpu.memory_space<semaphore_mem>>
          %dma_start3A = tpu.memref_slice %arg2[%add3A_67] : memref<320000xi32, #tpu.memory_space<hbm>> -> memref<80xi32, #tpu.memory_space<hbm>>
          %dma_start3A_69 = tpu.memref_slice %arg2[%add3A_67] : memref<320000xi32, #tpu.memory_space<hbm>> -> memref<80xi32, #tpu.memory_space<hbm>>
          tpu.enqueue_dma source(%dma_start3A_69 : memref<80xi32, #tpu.memory_space<hbm>>) target(%arg6 : memref<80xi32, #tpu.memory_space<vmem>>) target_semaphore(%run_scoped3A : memref<!tpu.dma_semaphore, #tpu.memory_space<semaphore_mem>>)
          %dma_wait3A = tpu.memref_slice %arg2[%add3A_67] : memref<320000xi32, #tpu.memory_space<hbm>> -> memref<80xi32, #tpu.memory_space<hbm>>
          %dma_wait3A_70 = tpu.memref_slice %arg2[%add3A_67] : memref<320000xi32, #tpu.memory_space<hbm>> -> memref<80xi32, #tpu.memory_space<hbm>>
          tpu.wait_dma2 semaphore(%run_scoped3A : memref<!tpu.dma_semaphore, #tpu.memory_space<semaphore_mem>>) src(%dma_wait3A_70 : memref<80xi32, #tpu.memory_space<hbm>>) dst(%arg6 : memref<80xi32, #tpu.memory_space<vmem>>)
          tpu.yield
        }) : () -> ()
        "tpu.region"() ({
          %run_scoped3A = tpu.sem_alloc : memref<!tpu.dma_semaphore, #tpu.memory_space<semaphore_mem>>
          %dma_start3A = arith.constant 0 : i32
          %dma_start3A_69 = tpu.memref_slice %arg3[%add3A_67, %dma_start3A] : memref<320000x16xf32, #tpu.memory_space<hbm>> -> memref<80x16xf32, #tpu.memory_space<hbm>>
          %dma_start3A_70 = arith.constant 0 : i32
          %dma_start3A_71 = tpu.memref_slice %arg3[%add3A_67, %dma_start3A_70] : memref<320000x16xf32, #tpu.memory_space<hbm>> -> memref<80x16xf32, #tpu.memory_space<hbm>>
          tpu.enqueue_dma source(%dma_start3A_71 : memref<80x16xf32, #tpu.memory_space<hbm>>) target(%arg7 : memref<80x16xf32, #tpu.memory_space<vmem>>) target_semaphore(%run_scoped3A : memref<!tpu.dma_semaphore, #tpu.memory_space<semaphore_mem>>)
          %dma_wait3A = arith.constant 0 : i32
          %dma_wait3A_72 = tpu.memref_slice %arg3[%add3A_67, %dma_wait3A] : memref<320000x16xf32, #tpu.memory_space<hbm>> -> memref<80x16xf32, #tpu.memory_space<hbm>>
          %dma_wait3A_73 = arith.constant 0 : i32
          %dma_wait3A_74 = tpu.memref_slice %arg3[%add3A_67, %dma_wait3A_73] : memref<320000x16xf32, #tpu.memory_space<hbm>> -> memref<80x16xf32, #tpu.memory_space<hbm>>
          tpu.wait_dma2 semaphore(%run_scoped3A : memref<!tpu.dma_semaphore, #tpu.memory_space<semaphore_mem>>) src(%dma_wait3A_74 : memref<80x16xf32, #tpu.memory_space<hbm>>) dst(%arg7 : memref<80x16xf32, #tpu.memory_space<vmem>>)
          tpu.yield
        }) : () -> ()
        "tpu.region"() ({
          %run_scoped3A = tpu.sem_alloc : memref<!tpu.dma_semaphore, #tpu.memory_space<semaphore_mem>>
          %dma_start3A = arith.constant 0 : i32
          %dma_start3A_69 = arith.constant 0 : i32
          %dma_start3A_70 = tpu.memref_slice %arg9[%dma_start3A, %dma_start3A_69] : memref<10240x16xf32, #tpu.memory_space<vmem_shared>> -> memref<10240x16xf32, #tpu.memory_space<vmem_shared>>
          tpu.enqueue_indirect_dma source(%arg7 : memref<80x16xf32, #tpu.memory_space<vmem>>) target(%dma_start3A_70 : memref<10240x16xf32, #tpu.memory_space<vmem_shared>>) offsets(%arg6 : memref<80xi32, #tpu.memory_space<vmem>>) semaphore(%run_scoped3A : memref<!tpu.dma_semaphore, #tpu.memory_space<semaphore_mem>>) {add = true}
          %dma_wait3A = arith.constant 0 : i32
          %dma_wait3A_71 = arith.constant 0 : i32
          %dma_wait3A_72 = tpu.memref_slice %arg9[%dma_wait3A, %dma_wait3A_71] : memref<10240x16xf32, #tpu.memory_space<vmem_shared>> -> memref<10240x16xf32, #tpu.memory_space<vmem_shared>>
          tpu.wait_indirect_dma semaphore(%run_scoped3A : memref<!tpu.dma_semaphore, #tpu.memory_space<semaphore_mem>>) src(%arg7 : memref<80x16xf32, #tpu.memory_space<vmem>>) dst(%dma_wait3A_72 : memref<10240x16xf32, #tpu.memory_space<vmem_shared>>)
          tpu.yield
        }) : () -> ()
        %scan3A_68 = arith.constant 0 : i32
        scf.yield %scan3A_68 : i32
      }
      %scan3A_62 = arith.constant 250 : i32
    } else {
    }
    %eq3A_40 = arith.constant 1 : i32
    %eq3A_41 = arith.cmpi eq, %arg0, %eq3A_40 : i32
    %convert_element_type3A_42 = arith.extui %eq3A_41 : i1 to i32
    %cond3A_43 = arith.constant 0 : i32
    %cond3A_44 = arith.cmpi ne, %convert_element_type3A_42, %cond3A_43 : i32
    scf.if %cond3A_44 {
      %scan3A_56 = arith.constant 0 : i32
      %scan3A_57 = arith.constant 0 : i32
      %scan3A_58 = arith.constant 250 : i32
      %scan3A_59 = arith.addi %scan3A_57, %scan3A_58 : i32
      %scan3A_60 = arith.constant 1 : i32
      %scan3A_61 = scf.for %scan3A_63 = %scan3A_57 to %scan3A_59 step %scan3A_60 iter_args(%scan3A_64 = %scan3A_56) -> (i32)  : i32 {
        %mul3A_65 = arith.constant 80 : i32
        %mul3A_66 = arith.muli %scan3A_63, %mul3A_65 : i32
        %add3A_67 = arith.addi %mul3A_36, %mul3A_66 : i32
        "tpu.region"() ({
          %run_scoped3A = tpu.sem_alloc : memref<!tpu.dma_semaphore, #tpu.memory_space<semaphore_mem>>
          %dma_start3A = tpu.memref_slice %arg2[%add3A_67] : memref<320000xi32, #tpu.memory_space<hbm>> -> memref<80xi32, #tpu.memory_space<hbm>>
          %dma_start3A_69 = tpu.memref_slice %arg2[%add3A_67] : memref<320000xi32, #tpu.memory_space<hbm>> -> memref<80xi32, #tpu.memory_space<hbm>>
          tpu.enqueue_dma source(%dma_start3A_69 : memref<80xi32, #tpu.memory_space<hbm>>) target(%arg6 : memref<80xi32, #tpu.memory_space<vmem>>) target_semaphore(%run_scoped3A : memref<!tpu.dma_semaphore, #tpu.memory_space<semaphore_mem>>)
          %dma_wait3A = tpu.memref_slice %arg2[%add3A_67] : memref<320000xi32, #tpu.memory_space<hbm>> -> memref<80xi32, #tpu.memory_space<hbm>>
          %dma_wait3A_70 = tpu.memref_slice %arg2[%add3A_67] : memref<320000xi32, #tpu.memory_space<hbm>> -> memref<80xi32, #tpu.memory_space<hbm>>
          tpu.wait_dma2 semaphore(%run_scoped3A : memref<!tpu.dma_semaphore, #tpu.memory_space<semaphore_mem>>) src(%dma_wait3A_70 : memref<80xi32, #tpu.memory_space<hbm>>) dst(%arg6 : memref<80xi32, #tpu.memory_space<vmem>>)
          tpu.yield
        }) : () -> ()
        "tpu.region"() ({
          %run_scoped3A = tpu.sem_alloc : memref<!tpu.dma_semaphore, #tpu.memory_space<semaphore_mem>>
          %dma_start3A = arith.constant 0 : i32
          %dma_start3A_69 = arith.constant 0 : i32
          %dma_start3A_70 = tpu.memref_slice %arg9[%dma_start3A, %dma_start3A_69] : memref<10240x16xf32, #tpu.memory_space<vmem_shared>> -> memref<10240x16xf32, #tpu.memory_space<vmem_shared>>
          tpu.enqueue_indirect_dma source(%arg8 : memref<80x16xf32, #tpu.memory_space<vmem>>) target(%dma_start3A_70 : memref<10240x16xf32, #tpu.memory_space<vmem_shared>>) offsets(%arg6 : memref<80xi32, #tpu.memory_space<vmem>>) semaphore(%run_scoped3A : memref<!tpu.dma_semaphore, #tpu.memory_space<semaphore_mem>>) {add = true}
          %dma_wait3A = arith.constant 0 : i32
          %dma_wait3A_71 = arith.constant 0 : i32
          %dma_wait3A_72 = tpu.memref_slice %arg9[%dma_wait3A, %dma_wait3A_71] : memref<10240x16xf32, #tpu.memory_space<vmem_shared>> -> memref<10240x16xf32, #tpu.memory_space<vmem_shared>>
          tpu.wait_indirect_dma semaphore(%run_scoped3A : memref<!tpu.dma_semaphore, #tpu.memory_space<semaphore_mem>>) src(%arg8 : memref<80x16xf32, #tpu.memory_space<vmem>>) dst(%dma_wait3A_72 : memref<10240x16xf32, #tpu.memory_space<vmem_shared>>)
          tpu.yield
        }) : () -> ()
        %scan3A_68 = arith.constant 0 : i32
        scf.yield %scan3A_68 : i32
      }
      %scan3A_62 = arith.constant 250 : i32
    } else {
    }
    %barrier3A_45 = arith.constant 0 : index
    tpu.barrier barrier_id(%barrier3A_45)
    %eq3A_46 = arith.constant 0 : i32
    %eq3A_47 = arith.cmpi eq, %arg0, %eq3A_46 : i32
    %convert_element_type3A_48 = arith.extui %eq3A_47 : i1 to i32
    %cond3A_49 = arith.constant 0 : i32
    %cond3A_50 = arith.cmpi ne, %convert_element_type3A_48, %cond3A_49 : i32
    scf.if %cond3A_50 {
      "tpu.region"() ({
        %run_scoped3A = tpu.sem_alloc : memref<!tpu.dma_semaphore, #tpu.memory_space<semaphore_mem>>
        %dma_start3A = arith.constant 0 : i32
        %dma_start3A_56 = tpu.memref_slice %arg4[%mul3A_19, %dma_start3A] : memref<10240x16xf32, #tpu.memory_space<hbm>> -> memref<640x16xf32, #tpu.memory_space<hbm>>
        %dma_start3A_57 = arith.constant 0 : i32
        %dma_start3A_58 = tpu.memref_slice %arg9[%mul3A_19, %dma_start3A_57] : memref<10240x16xf32, #tpu.memory_space<vmem_shared>> -> memref<640x16xf32, #tpu.memory_space<vmem_shared>>
        tpu.enqueue_dma source(%dma_start3A_58 : memref<640x16xf32, #tpu.memory_space<vmem_shared>>) target(%dma_start3A_56 : memref<640x16xf32, #tpu.memory_space<hbm>>) target_semaphore(%run_scoped3A : memref<!tpu.dma_semaphore, #tpu.memory_space<semaphore_mem>>)
        %dma_wait3A = arith.constant 0 : i32
        %dma_wait3A_59 = tpu.memref_slice %arg4[%mul3A_19, %dma_wait3A] : memref<10240x16xf32, #tpu.memory_space<hbm>> -> memref<640x16xf32, #tpu.memory_space<hbm>>
        %dma_wait3A_60 = arith.constant 0 : i32
        %dma_wait3A_61 = tpu.memref_slice %arg9[%mul3A_19, %dma_wait3A_60] : memref<10240x16xf32, #tpu.memory_space<vmem_shared>> -> memref<640x16xf32, #tpu.memory_space<vmem_shared>>
        tpu.wait_dma2 semaphore(%run_scoped3A : memref<!tpu.dma_semaphore, #tpu.memory_space<semaphore_mem>>) src(%dma_wait3A_61 : memref<640x16xf32, #tpu.memory_space<vmem_shared>>) dst(%dma_wait3A_59 : memref<640x16xf32, #tpu.memory_space<hbm>>)
        tpu.yield
      }) : () -> ()
    } else {
    }
    %eq3A_51 = arith.constant 1 : i32
    %eq3A_52 = arith.cmpi eq, %arg0, %eq3A_51 : i32
    %convert_element_type3A_53 = arith.extui %eq3A_52 : i1 to i32
    %cond3A_54 = arith.constant 0 : i32
    %cond3A_55 = arith.cmpi ne, %convert_element_type3A_53, %cond3A_54 : i32
    scf.if %cond3A_55 {
      "tpu.region"() ({
        %run_scoped3A = tpu.sem_alloc : memref<!tpu.dma_semaphore, #tpu.memory_space<semaphore_mem>>
        %dma_start3A = arith.constant 0 : i32
        %dma_start3A_56 = tpu.memref_slice %arg5[%mul3A_19, %dma_start3A] : memref<10240x16xf32, #tpu.memory_space<hbm>> -> memref<640x16xf32, #tpu.memory_space<hbm>>
        %dma_start3A_57 = arith.constant 0 : i32
        %dma_start3A_58 = tpu.memref_slice %arg9[%mul3A_19, %dma_start3A_57] : memref<10240x16xf32, #tpu.memory_space<vmem_shared>> -> memref<640x16xf32, #tpu.memory_space<vmem_shared>>
        tpu.enqueue_dma source(%dma_start3A_58 : memref<640x16xf32, #tpu.memory_space<vmem_shared>>) target(%dma_start3A_56 : memref<640x16xf32, #tpu.memory_space<hbm>>) target_semaphore(%run_scoped3A : memref<!tpu.dma_semaphore, #tpu.memory_space<semaphore_mem>>)
        %dma_wait3A = arith.constant 0 : i32
        %dma_wait3A_59 = tpu.memref_slice %arg5[%mul3A_19, %dma_wait3A] : memref<10240x16xf32, #tpu.memory_space<hbm>> -> memref<640x16xf32, #tpu.memory_space<hbm>>
        %dma_wait3A_60 = arith.constant 0 : i32
        %dma_wait3A_61 = tpu.memref_slice %arg9[%mul3A_19, %dma_wait3A_60] : memref<10240x16xf32, #tpu.memory_space<vmem_shared>> -> memref<640x16xf32, #tpu.memory_space<vmem_shared>>
        tpu.wait_dma2 semaphore(%run_scoped3A : memref<!tpu.dma_semaphore, #tpu.memory_space<semaphore_mem>>) src(%dma_wait3A_61 : memref<640x16xf32, #tpu.memory_space<vmem_shared>>) dst(%dma_wait3A_59 : memref<640x16xf32, #tpu.memory_space<hbm>>)
        tpu.yield
      }) : () -> ()
    } else {
    }
    return
  }
}

#map = affine_map<(d0, d1) -> (0)>
#map1 = affine_map<(d0, d1) -> (0, 0)>
module attributes {stable_mosaic.version = 14 : i64} {
  func.func @_sc_a_body(%arg0: i32, %arg1: i32, %arg2: memref<320000xi32, #tpu.memory_space<hbm>>, %arg3: memref<320000xi32, #tpu.memory_space<hbm>>, %arg4: memref<10000x128xf32, #tpu.memory_space<hbm>>, %arg5: memref<10240x128xf32, #tpu.memory_space<hbm>>, %arg6: memref<10240x128xf32, #tpu.memory_space<hbm>>, %arg7: memref<80xi32, #tpu.memory_space<vmem>>, %arg8: memref<80xi32, #tpu.memory_space<vmem>>, %arg9: memref<80x128xf32, #tpu.memory_space<vmem>>, %arg10: memref<10240x128xf32, #tpu.memory_space<vmem_shared>>, %arg11: memref<!tpu.dma_semaphore, #tpu.memory_space<semaphore_mem>>) attributes {dimension_semantics = [#tpu.dimension_semantics<core_parallel>, #tpu.dimension_semantics<subcore_parallel>], iteration_bounds = array<i64: 2, 16>, scalar_prefetch = 0 : i64, scratch_operands = 5 : i64, tpu.core_type = #tpu.core_type<sc_vector_subcore>, window_params = [{transform_indices = #map}, {transform_indices = #map}, {transform_indices = #map1}, {transform_indices = #map1}, {transform_indices = #map1}]} {
    %mul3A = arith.constant 16 : i32
    %mul3A_0 = arith.muli %arg0, %mul3A : i32
    %add3A = arith.addi %mul3A_0, %arg1 : i32
    %broadcast_in_dim3A = arith.constant 0.000000e+00 : f32
    %broadcast_in_dim3A_1 = vector.broadcast %broadcast_in_dim3A : f32 to vector<16xf32>
    %scan3A = arith.constant 0 : i32
    %scan3A_2 = arith.constant 0 : i32
    %scan3A_3 = arith.constant 640 : i32
    %scan3A_4 = arith.addi %scan3A_2, %scan3A_3 : i32
    %scan3A_5 = arith.constant 1 : i32
    %scan3A_6 = scf.for %scan3A_43 = %scan3A_2 to %scan3A_4 step %scan3A_5 iter_args(%scan3A_44 = %scan3A) -> (i32)  : i32 {
      %jit3A = arith.constant 8 : i32
      %div3A = arith.divsi %scan3A_43, %jit3A : i32
      %sign3A = arith.constant 0 : i32
      %sign3A_45 = arith.cmpi sgt, %scan3A_43, %sign3A : i32
      %sign3A_46 = arith.extui %sign3A_45 : i1 to i32
      %sign3A_47 = arith.constant 0 : i32
      %sign3A_48 = arith.cmpi slt, %scan3A_43, %sign3A_47 : i32
      %sign3A_49 = arith.extui %sign3A_48 : i1 to i32
      %sign3A_50 = arith.subi %sign3A_46, %sign3A_49 : i32
      %sign3A_51 = arith.constant 0 : i32
      %sign3A_52 = arith.cmpi sgt, %jit3A, %sign3A_51 : i32
      %sign3A_53 = arith.extui %sign3A_52 : i1 to i32
      %sign3A_54 = arith.constant 0 : i32
      %sign3A_55 = arith.cmpi slt, %jit3A, %sign3A_54 : i32
      %sign3A_56 = arith.extui %sign3A_55 : i1 to i32
      %sign3A_57 = arith.subi %sign3A_53, %sign3A_56 : i32
      %ne3A = arith.cmpi ne, %sign3A_50, %sign3A_57 : i32
      %rem3A = arith.remsi %scan3A_43, %jit3A : i32
      %ne3A_58 = arith.constant 0 : i32
      %ne3A_59 = arith.cmpi ne, %rem3A, %ne3A_58 : i32
      %and3A = arith.andi %ne3A, %ne3A_59 : i1
      %sub3A = arith.constant 1 : i32
      %sub3A_60 = arith.subi %div3A, %sub3A : i32
      %select_n3A = arith.select %and3A, %sub3A_60, %div3A : i32
      %jit3A_61 = arith.constant 8 : i32
      %eq3A_62 = arith.constant 0 : i32
      %eq3A_63 = arith.cmpi eq, %jit3A_61, %eq3A_62 : i32
      %jit3A_64 = arith.constant 1 : i32
      %select_n3A_65 = arith.select %eq3A_63, %jit3A_64, %jit3A_61 : i32
      %rem3A_66 = arith.remsi %scan3A_43, %select_n3A_65 : i32
      %ne3A_67 = arith.constant 0 : i32
      %ne3A_68 = arith.cmpi ne, %rem3A_66, %ne3A_67 : i32
      %lt3A = arith.constant 0 : i32
      %lt3A_69 = arith.cmpi slt, %rem3A_66, %lt3A : i32
      %lt3A_70 = arith.constant 0 : i32
      %lt3A_71 = arith.cmpi slt, %select_n3A_65, %lt3A_70 : i32
      %ne3A_72 = arith.xori %lt3A_69, %lt3A_71 : i1
      %and3A_73 = arith.andi %ne3A_72, %ne3A_68 : i1
      %add3A_74 = arith.addi %rem3A_66, %select_n3A_65 : i32
      %select_n3A_75 = arith.select %and3A_73, %add3A_74, %rem3A_66 : i32
      %mul3A_76 = arith.constant 16 : i32
      %mul3A_77 = arith.muli %select_n3A_75, %mul3A_76 : i32
      %swap3A = arith.index_cast %select_n3A : i32 to index
      %swap3A_78 = arith.index_cast %mul3A_77 : i32 to index
      %swap3A_79 = tpu.vector_load %arg9[%swap3A, %swap3A_78] {strides = array<i32>} : memref<80x128xf32, #tpu.memory_space<vmem>>, vector<1x16xf32>,
      %swap3A_80 = vector.shape_cast %swap3A_79 : vector<1x16xf32> to vector<16xf32>
      %swap3A_81 = vector.shape_cast %broadcast_in_dim3A_1 : vector<16xf32> to vector<1x16xf32>
      tpu.vector_store %arg9[%swap3A, %swap3A_78], %swap3A_81 {strides = array<i32>} : memref<80x128xf32, #tpu.memory_space<vmem>>, vector<1x16xf32>,
      %scan3A_82 = arith.constant 0 : i32
      scf.yield %scan3A_82 : i32
    }
    %scan3A_7 = arith.constant 640 : i32
    %mul3A_8 = arith.constant 640 : i32
    %mul3A_9 = arith.muli %arg1, %mul3A_8 : i32
    %add3A_10 = arith.constant 0 : i32
    %add3A_11 = arith.addi %mul3A_9, %add3A_10 : i32
    "tpu.region"() ({
      %run_scoped3A = tpu.sem_alloc : memref<!tpu.dma_semaphore, #tpu.memory_space<semaphore_mem>>
      %dma_start3A = arith.constant 0 : i32
      %dma_start3A_43 = tpu.memref_slice %arg10[%add3A_11, %dma_start3A] : memref<10240x128xf32, #tpu.memory_space<vmem_shared>> -> memref<80x128xf32, #tpu.memory_space<vmem_shared>>
      %dma_start3A_44 = arith.constant 0 : i32
      %dma_start3A_45 = tpu.memref_slice %arg10[%add3A_11, %dma_start3A_44] : memref<10240x128xf32, #tpu.memory_space<vmem_shared>> -> memref<80x128xf32, #tpu.memory_space<vmem_shared>>
      tpu.enqueue_dma source(%arg9 : memref<80x128xf32, #tpu.memory_space<vmem>>) target(%dma_start3A_45 : memref<80x128xf32, #tpu.memory_space<vmem_shared>>) target_semaphore(%run_scoped3A : memref<!tpu.dma_semaphore, #tpu.memory_space<semaphore_mem>>)
      %dma_wait3A = arith.constant 0 : i32
      %dma_wait3A_46 = tpu.memref_slice %arg10[%add3A_11, %dma_wait3A] : memref<10240x128xf32, #tpu.memory_space<vmem_shared>> -> memref<80x128xf32, #tpu.memory_space<vmem_shared>>
      %dma_wait3A_47 = arith.constant 0 : i32
      %dma_wait3A_48 = tpu.memref_slice %arg10[%add3A_11, %dma_wait3A_47] : memref<10240x128xf32, #tpu.memory_space<vmem_shared>> -> memref<80x128xf32, #tpu.memory_space<vmem_shared>>
      tpu.wait_dma2 semaphore(%run_scoped3A : memref<!tpu.dma_semaphore, #tpu.memory_space<semaphore_mem>>) src(%arg9 : memref<80x128xf32, #tpu.memory_space<vmem>>) dst(%dma_wait3A_48 : memref<80x128xf32, #tpu.memory_space<vmem_shared>>)
      tpu.yield
    }) : () -> ()
    %add3A_12 = arith.constant 80 : i32
    %add3A_13 = arith.addi %mul3A_9, %add3A_12 : i32
    "tpu.region"() ({
      %run_scoped3A = tpu.sem_alloc : memref<!tpu.dma_semaphore, #tpu.memory_space<semaphore_mem>>
      %dma_start3A = arith.constant 0 : i32
      %dma_start3A_43 = tpu.memref_slice %arg10[%add3A_13, %dma_start3A] : memref<10240x128xf32, #tpu.memory_space<vmem_shared>> -> memref<80x128xf32, #tpu.memory_space<vmem_shared>>
      %dma_start3A_44 = arith.constant 0 : i32
      %dma_start3A_45 = tpu.memref_slice %arg10[%add3A_13, %dma_start3A_44] : memref<10240x128xf32, #tpu.memory_space<vmem_shared>> -> memref<80x128xf32, #tpu.memory_space<vmem_shared>>
      tpu.enqueue_dma source(%arg9 : memref<80x128xf32, #tpu.memory_space<vmem>>) target(%dma_start3A_45 : memref<80x128xf32, #tpu.memory_space<vmem_shared>>) target_semaphore(%run_scoped3A : memref<!tpu.dma_semaphore, #tpu.memory_space<semaphore_mem>>)
      %dma_wait3A = arith.constant 0 : i32
      %dma_wait3A_46 = tpu.memref_slice %arg10[%add3A_13, %dma_wait3A] : memref<10240x128xf32, #tpu.memory_space<vmem_shared>> -> memref<80x128xf32, #tpu.memory_space<vmem_shared>>
      %dma_wait3A_47 = arith.constant 0 : i32
      %dma_wait3A_48 = tpu.memref_slice %arg10[%add3A_13, %dma_wait3A_47] : memref<10240x128xf32, #tpu.memory_space<vmem_shared>> -> memref<80x128xf32, #tpu.memory_space<vmem_shared>>
      tpu.wait_dma2 semaphore(%run_scoped3A : memref<!tpu.dma_semaphore, #tpu.memory_space<semaphore_mem>>) src(%arg9 : memref<80x128xf32, #tpu.memory_space<vmem>>) dst(%dma_wait3A_48 : memref<80x128xf32, #tpu.memory_space<vmem_shared>>)
      tpu.yield
    }) : () -> ()
    %add3A_14 = arith.constant 160 : i32
    %add3A_15 = arith.addi %mul3A_9, %add3A_14 : i32
    "tpu.region"() ({
      %run_scoped3A = tpu.sem_alloc : memref<!tpu.dma_semaphore, #tpu.memory_space<semaphore_mem>>
      %dma_start3A = arith.constant 0 : i32
      %dma_start3A_43 = tpu.memref_slice %arg10[%add3A_15, %dma_start3A] : memref<10240x128xf32, #tpu.memory_space<vmem_shared>> -> memref<80x128xf32, #tpu.memory_space<vmem_shared>>
      %dma_start3A_44 = arith.constant 0 : i32
      %dma_start3A_45 = tpu.memref_slice %arg10[%add3A_15, %dma_start3A_44] : memref<10240x128xf32, #tpu.memory_space<vmem_shared>> -> memref<80x128xf32, #tpu.memory_space<vmem_shared>>
      tpu.enqueue_dma source(%arg9 : memref<80x128xf32, #tpu.memory_space<vmem>>) target(%dma_start3A_45 : memref<80x128xf32, #tpu.memory_space<vmem_shared>>) target_semaphore(%run_scoped3A : memref<!tpu.dma_semaphore, #tpu.memory_space<semaphore_mem>>)
      %dma_wait3A = arith.constant 0 : i32
      %dma_wait3A_46 = tpu.memref_slice %arg10[%add3A_15, %dma_wait3A] : memref<10240x128xf32, #tpu.memory_space<vmem_shared>> -> memref<80x128xf32, #tpu.memory_space<vmem_shared>>
      %dma_wait3A_47 = arith.constant 0 : i32
      %dma_wait3A_48 = tpu.memref_slice %arg10[%add3A_15, %dma_wait3A_47] : memref<10240x128xf32, #tpu.memory_space<vmem_shared>> -> memref<80x128xf32, #tpu.memory_space<vmem_shared>>
      tpu.wait_dma2 semaphore(%run_scoped3A : memref<!tpu.dma_semaphore, #tpu.memory_space<semaphore_mem>>) src(%arg9 : memref<80x128xf32, #tpu.memory_space<vmem>>) dst(%dma_wait3A_48 : memref<80x128xf32, #tpu.memory_space<vmem_shared>>)
      tpu.yield
    }) : () -> ()
    %add3A_16 = arith.constant 240 : i32
    %add3A_17 = arith.addi %mul3A_9, %add3A_16 : i32
    "tpu.region"() ({
      %run_scoped3A = tpu.sem_alloc : memref<!tpu.dma_semaphore, #tpu.memory_space<semaphore_mem>>
      %dma_start3A = arith.constant 0 : i32
      %dma_start3A_43 = tpu.memref_slice %arg10[%add3A_17, %dma_start3A] : memref<10240x128xf32, #tpu.memory_space<vmem_shared>> -> memref<80x128xf32, #tpu.memory_space<vmem_shared>>
      %dma_start3A_44 = arith.constant 0 : i32
      %dma_start3A_45 = tpu.memref_slice %arg10[%add3A_17, %dma_start3A_44] : memref<10240x128xf32, #tpu.memory_space<vmem_shared>> -> memref<80x128xf32, #tpu.memory_space<vmem_shared>>
      tpu.enqueue_dma source(%arg9 : memref<80x128xf32, #tpu.memory_space<vmem>>) target(%dma_start3A_45 : memref<80x128xf32, #tpu.memory_space<vmem_shared>>) target_semaphore(%run_scoped3A : memref<!tpu.dma_semaphore, #tpu.memory_space<semaphore_mem>>)
      %dma_wait3A = arith.constant 0 : i32
      %dma_wait3A_46 = tpu.memref_slice %arg10[%add3A_17, %dma_wait3A] : memref<10240x128xf32, #tpu.memory_space<vmem_shared>> -> memref<80x128xf32, #tpu.memory_space<vmem_shared>>
      %dma_wait3A_47 = arith.constant 0 : i32
      %dma_wait3A_48 = tpu.memref_slice %arg10[%add3A_17, %dma_wait3A_47] : memref<10240x128xf32, #tpu.memory_space<vmem_shared>> -> memref<80x128xf32, #tpu.memory_space<vmem_shared>>
      tpu.wait_dma2 semaphore(%run_scoped3A : memref<!tpu.dma_semaphore, #tpu.memory_space<semaphore_mem>>) src(%arg9 : memref<80x128xf32, #tpu.memory_space<vmem>>) dst(%dma_wait3A_48 : memref<80x128xf32, #tpu.memory_space<vmem_shared>>)
      tpu.yield
    }) : () -> ()
    %add3A_18 = arith.constant 320 : i32
    %add3A_19 = arith.addi %mul3A_9, %add3A_18 : i32
    "tpu.region"() ({
      %run_scoped3A = tpu.sem_alloc : memref<!tpu.dma_semaphore, #tpu.memory_space<semaphore_mem>>
      %dma_start3A = arith.constant 0 : i32
      %dma_start3A_43 = tpu.memref_slice %arg10[%add3A_19, %dma_start3A] : memref<10240x128xf32, #tpu.memory_space<vmem_shared>> -> memref<80x128xf32, #tpu.memory_space<vmem_shared>>
      %dma_start3A_44 = arith.constant 0 : i32
      %dma_start3A_45 = tpu.memref_slice %arg10[%add3A_19, %dma_start3A_44] : memref<10240x128xf32, #tpu.memory_space<vmem_shared>> -> memref<80x128xf32, #tpu.memory_space<vmem_shared>>
      tpu.enqueue_dma source(%arg9 : memref<80x128xf32, #tpu.memory_space<vmem>>) target(%dma_start3A_45 : memref<80x128xf32, #tpu.memory_space<vmem_shared>>) target_semaphore(%run_scoped3A : memref<!tpu.dma_semaphore, #tpu.memory_space<semaphore_mem>>)
      %dma_wait3A = arith.constant 0 : i32
      %dma_wait3A_46 = tpu.memref_slice %arg10[%add3A_19, %dma_wait3A] : memref<10240x128xf32, #tpu.memory_space<vmem_shared>> -> memref<80x128xf32, #tpu.memory_space<vmem_shared>>
      %dma_wait3A_47 = arith.constant 0 : i32
      %dma_wait3A_48 = tpu.memref_slice %arg10[%add3A_19, %dma_wait3A_47] : memref<10240x128xf32, #tpu.memory_space<vmem_shared>> -> memref<80x128xf32, #tpu.memory_space<vmem_shared>>
      tpu.wait_dma2 semaphore(%run_scoped3A : memref<!tpu.dma_semaphore, #tpu.memory_space<semaphore_mem>>) src(%arg9 : memref<80x128xf32, #tpu.memory_space<vmem>>) dst(%dma_wait3A_48 : memref<80x128xf32, #tpu.memory_space<vmem_shared>>)
      tpu.yield
    }) : () -> ()
    %add3A_20 = arith.constant 400 : i32
    %add3A_21 = arith.addi %mul3A_9, %add3A_20 : i32
    "tpu.region"() ({
      %run_scoped3A = tpu.sem_alloc : memref<!tpu.dma_semaphore, #tpu.memory_space<semaphore_mem>>
      %dma_start3A = arith.constant 0 : i32
      %dma_start3A_43 = tpu.memref_slice %arg10[%add3A_21, %dma_start3A] : memref<10240x128xf32, #tpu.memory_space<vmem_shared>> -> memref<80x128xf32, #tpu.memory_space<vmem_shared>>
      %dma_start3A_44 = arith.constant 0 : i32
      %dma_start3A_45 = tpu.memref_slice %arg10[%add3A_21, %dma_start3A_44] : memref<10240x128xf32, #tpu.memory_space<vmem_shared>> -> memref<80x128xf32, #tpu.memory_space<vmem_shared>>
      tpu.enqueue_dma source(%arg9 : memref<80x128xf32, #tpu.memory_space<vmem>>) target(%dma_start3A_45 : memref<80x128xf32, #tpu.memory_space<vmem_shared>>) target_semaphore(%run_scoped3A : memref<!tpu.dma_semaphore, #tpu.memory_space<semaphore_mem>>)
      %dma_wait3A = arith.constant 0 : i32
      %dma_wait3A_46 = tpu.memref_slice %arg10[%add3A_21, %dma_wait3A] : memref<10240x128xf32, #tpu.memory_space<vmem_shared>> -> memref<80x128xf32, #tpu.memory_space<vmem_shared>>
      %dma_wait3A_47 = arith.constant 0 : i32
      %dma_wait3A_48 = tpu.memref_slice %arg10[%add3A_21, %dma_wait3A_47] : memref<10240x128xf32, #tpu.memory_space<vmem_shared>> -> memref<80x128xf32, #tpu.memory_space<vmem_shared>>
      tpu.wait_dma2 semaphore(%run_scoped3A : memref<!tpu.dma_semaphore, #tpu.memory_space<semaphore_mem>>) src(%arg9 : memref<80x128xf32, #tpu.memory_space<vmem>>) dst(%dma_wait3A_48 : memref<80x128xf32, #tpu.memory_space<vmem_shared>>)
      tpu.yield
    }) : () -> ()
    %add3A_22 = arith.constant 480 : i32
    %add3A_23 = arith.addi %mul3A_9, %add3A_22 : i32
    "tpu.region"() ({
      %run_scoped3A = tpu.sem_alloc : memref<!tpu.dma_semaphore, #tpu.memory_space<semaphore_mem>>
      %dma_start3A = arith.constant 0 : i32
      %dma_start3A_43 = tpu.memref_slice %arg10[%add3A_23, %dma_start3A] : memref<10240x128xf32, #tpu.memory_space<vmem_shared>> -> memref<80x128xf32, #tpu.memory_space<vmem_shared>>
      %dma_start3A_44 = arith.constant 0 : i32
      %dma_start3A_45 = tpu.memref_slice %arg10[%add3A_23, %dma_start3A_44] : memref<10240x128xf32, #tpu.memory_space<vmem_shared>> -> memref<80x128xf32, #tpu.memory_space<vmem_shared>>
      tpu.enqueue_dma source(%arg9 : memref<80x128xf32, #tpu.memory_space<vmem>>) target(%dma_start3A_45 : memref<80x128xf32, #tpu.memory_space<vmem_shared>>) target_semaphore(%run_scoped3A : memref<!tpu.dma_semaphore, #tpu.memory_space<semaphore_mem>>)
      %dma_wait3A = arith.constant 0 : i32
      %dma_wait3A_46 = tpu.memref_slice %arg10[%add3A_23, %dma_wait3A] : memref<10240x128xf32, #tpu.memory_space<vmem_shared>> -> memref<80x128xf32, #tpu.memory_space<vmem_shared>>
      %dma_wait3A_47 = arith.constant 0 : i32
      %dma_wait3A_48 = tpu.memref_slice %arg10[%add3A_23, %dma_wait3A_47] : memref<10240x128xf32, #tpu.memory_space<vmem_shared>> -> memref<80x128xf32, #tpu.memory_space<vmem_shared>>
      tpu.wait_dma2 semaphore(%run_scoped3A : memref<!tpu.dma_semaphore, #tpu.memory_space<semaphore_mem>>) src(%arg9 : memref<80x128xf32, #tpu.memory_space<vmem>>) dst(%dma_wait3A_48 : memref<80x128xf32, #tpu.memory_space<vmem_shared>>)
      tpu.yield
    }) : () -> ()
    %add3A_24 = arith.constant 560 : i32
    %add3A_25 = arith.addi %mul3A_9, %add3A_24 : i32
    "tpu.region"() ({
      %run_scoped3A = tpu.sem_alloc : memref<!tpu.dma_semaphore, #tpu.memory_space<semaphore_mem>>
      %dma_start3A = arith.constant 0 : i32
      %dma_start3A_43 = tpu.memref_slice %arg10[%add3A_25, %dma_start3A] : memref<10240x128xf32, #tpu.memory_space<vmem_shared>> -> memref<80x128xf32, #tpu.memory_space<vmem_shared>>
      %dma_start3A_44 = arith.constant 0 : i32
      %dma_start3A_45 = tpu.memref_slice %arg10[%add3A_25, %dma_start3A_44] : memref<10240x128xf32, #tpu.memory_space<vmem_shared>> -> memref<80x128xf32, #tpu.memory_space<vmem_shared>>
      tpu.enqueue_dma source(%arg9 : memref<80x128xf32, #tpu.memory_space<vmem>>) target(%dma_start3A_45 : memref<80x128xf32, #tpu.memory_space<vmem_shared>>) target_semaphore(%run_scoped3A : memref<!tpu.dma_semaphore, #tpu.memory_space<semaphore_mem>>)
      %dma_wait3A = arith.constant 0 : i32
      %dma_wait3A_46 = tpu.memref_slice %arg10[%add3A_25, %dma_wait3A] : memref<10240x128xf32, #tpu.memory_space<vmem_shared>> -> memref<80x128xf32, #tpu.memory_space<vmem_shared>>
      %dma_wait3A_47 = arith.constant 0 : i32
      %dma_wait3A_48 = tpu.memref_slice %arg10[%add3A_25, %dma_wait3A_47] : memref<10240x128xf32, #tpu.memory_space<vmem_shared>> -> memref<80x128xf32, #tpu.memory_space<vmem_shared>>
      tpu.wait_dma2 semaphore(%run_scoped3A : memref<!tpu.dma_semaphore, #tpu.memory_space<semaphore_mem>>) src(%arg9 : memref<80x128xf32, #tpu.memory_space<vmem>>) dst(%dma_wait3A_48 : memref<80x128xf32, #tpu.memory_space<vmem_shared>>)
      tpu.yield
    }) : () -> ()
    %barrier3A = arith.constant 0 : index
    tpu.barrier barrier_id(%barrier3A)
    %mul3A_26 = arith.constant 10000 : i32
    %mul3A_27 = arith.muli %add3A, %mul3A_26 : i32
    %scan3A_28 = arith.constant 0 : i32
    %scan3A_29 = arith.constant 0 : i32
    %scan3A_30 = arith.constant 125 : i32
    %scan3A_31 = arith.addi %scan3A_29, %scan3A_30 : i32
    %scan3A_32 = arith.constant 1 : i32
    %scan3A_33 = scf.for %scan3A_43 = %scan3A_29 to %scan3A_31 step %scan3A_32 iter_args(%scan3A_44 = %scan3A_28) -> (i32)  : i32 {
      %mul3A_45 = arith.constant 80 : i32
      %mul3A_46 = arith.muli %scan3A_43, %mul3A_45 : i32
      %add3A_47 = arith.addi %mul3A_27, %mul3A_46 : i32
      "tpu.region"() ({
        %run_scoped3A = tpu.sem_alloc : memref<!tpu.dma_semaphore, #tpu.memory_space<semaphore_mem>>
        %dma_start3A_53 = tpu.memref_slice %arg2[%add3A_47] : memref<320000xi32, #tpu.memory_space<hbm>> -> memref<80xi32, #tpu.memory_space<hbm>>
        %dma_start3A_54 = tpu.memref_slice %arg2[%add3A_47] : memref<320000xi32, #tpu.memory_space<hbm>> -> memref<80xi32, #tpu.memory_space<hbm>>
        tpu.enqueue_dma source(%dma_start3A_54 : memref<80xi32, #tpu.memory_space<hbm>>) target(%arg7 : memref<80xi32, #tpu.memory_space<vmem>>) target_semaphore(%run_scoped3A : memref<!tpu.dma_semaphore, #tpu.memory_space<semaphore_mem>>)
        %dma_wait3A_55 = tpu.memref_slice %arg2[%add3A_47] : memref<320000xi32, #tpu.memory_space<hbm>> -> memref<80xi32, #tpu.memory_space<hbm>>
        %dma_wait3A_56 = tpu.memref_slice %arg2[%add3A_47] : memref<320000xi32, #tpu.memory_space<hbm>> -> memref<80xi32, #tpu.memory_space<hbm>>
        tpu.wait_dma2 semaphore(%run_scoped3A : memref<!tpu.dma_semaphore, #tpu.memory_space<semaphore_mem>>) src(%dma_wait3A_56 : memref<80xi32, #tpu.memory_space<hbm>>) dst(%arg7 : memref<80xi32, #tpu.memory_space<vmem>>)
        tpu.yield
      }) : () -> ()
      "tpu.region"() ({
        %run_scoped3A = tpu.sem_alloc : memref<!tpu.dma_semaphore, #tpu.memory_space<semaphore_mem>>
        %dma_start3A_53 = tpu.memref_slice %arg3[%add3A_47] : memref<320000xi32, #tpu.memory_space<hbm>> -> memref<80xi32, #tpu.memory_space<hbm>>
        %dma_start3A_54 = tpu.memref_slice %arg3[%add3A_47] : memref<320000xi32, #tpu.memory_space<hbm>> -> memref<80xi32, #tpu.memory_space<hbm>>
        tpu.enqueue_dma source(%dma_start3A_54 : memref<80xi32, #tpu.memory_space<hbm>>) target(%arg8 : memref<80xi32, #tpu.memory_space<vmem>>) target_semaphore(%run_scoped3A : memref<!tpu.dma_semaphore, #tpu.memory_space<semaphore_mem>>)
        %dma_wait3A_55 = tpu.memref_slice %arg3[%add3A_47] : memref<320000xi32, #tpu.memory_space<hbm>> -> memref<80xi32, #tpu.memory_space<hbm>>
        %dma_wait3A_56 = tpu.memref_slice %arg3[%add3A_47] : memref<320000xi32, #tpu.memory_space<hbm>> -> memref<80xi32, #tpu.memory_space<hbm>>
        tpu.wait_dma2 semaphore(%run_scoped3A : memref<!tpu.dma_semaphore, #tpu.memory_space<semaphore_mem>>) src(%dma_wait3A_56 : memref<80xi32, #tpu.memory_space<hbm>>) dst(%arg8 : memref<80xi32, #tpu.memory_space<vmem>>)
        tpu.yield
      }) : () -> ()
      %dma_start3A = arith.constant 0 : i32
      %dma_start3A_48 = arith.constant 0 : i32
      %dma_start3A_49 = tpu.memref_slice %arg4[%dma_start3A, %dma_start3A_48] : memref<10000x128xf32, #tpu.memory_space<hbm>> -> memref<10000x128xf32, #tpu.memory_space<hbm>>
      tpu.enqueue_indirect_dma source(%dma_start3A_49 : memref<10000x128xf32, #tpu.memory_space<hbm>>) target(%arg9 : memref<80x128xf32, #tpu.memory_space<vmem>>) offsets(%arg7 : memref<80xi32, #tpu.memory_space<vmem>>) semaphore(%arg11 : memref<!tpu.dma_semaphore, #tpu.memory_space<semaphore_mem>>)
      %dma_wait3A = arith.constant 0 : i32
      %dma_wait3A_50 = arith.constant 0 : i32
      %dma_wait3A_51 = tpu.memref_slice %arg4[%dma_wait3A, %dma_wait3A_50] : memref<10000x128xf32, #tpu.memory_space<hbm>> -> memref<10000x128xf32, #tpu.memory_space<hbm>>
      tpu.wait_indirect_dma semaphore(%arg11 : memref<!tpu.dma_semaphore, #tpu.memory_space<semaphore_mem>>) src(%dma_wait3A_51 : memref<10000x128xf32, #tpu.memory_space<hbm>>) dst(%arg9 : memref<80x128xf32, #tpu.memory_space<vmem>>)
      "tpu.region"() ({
        %run_scoped3A = tpu.sem_alloc : memref<!tpu.dma_semaphore, #tpu.memory_space<semaphore_mem>>
        %dma_start3A_53 = arith.constant 0 : i32
        %dma_start3A_54 = arith.constant 0 : i32
        %dma_start3A_55 = tpu.memref_slice %arg10[%dma_start3A_53, %dma_start3A_54] : memref<10240x128xf32, #tpu.memory_space<vmem_shared>> -> memref<10240x128xf32, #tpu.memory_space<vmem_shared>>
        tpu.enqueue_indirect_dma source(%arg9 : memref<80x128xf32, #tpu.memory_space<vmem>>) target(%dma_start3A_55 : memref<10240x128xf32, #tpu.memory_space<vmem_shared>>) offsets(%arg8 : memref<80xi32, #tpu.memory_space<vmem>>) semaphore(%run_scoped3A : memref<!tpu.dma_semaphore, #tpu.memory_space<semaphore_mem>>) {add = true}
        %dma_wait3A_56 = arith.constant 0 : i32
        %dma_wait3A_57 = arith.constant 0 : i32
        %dma_wait3A_58 = tpu.memref_slice %arg10[%dma_wait3A_56, %dma_wait3A_57] : memref<10240x128xf32, #tpu.memory_space<vmem_shared>> -> memref<10240x128xf32, #tpu.memory_space<vmem_shared>>
        tpu.wait_indirect_dma semaphore(%run_scoped3A : memref<!tpu.dma_semaphore, #tpu.memory_space<semaphore_mem>>) src(%arg9 : memref<80x128xf32, #tpu.memory_space<vmem>>) dst(%dma_wait3A_58 : memref<10240x128xf32, #tpu.memory_space<vmem_shared>>)
        tpu.yield
      }) : () -> ()
      %scan3A_52 = arith.constant 0 : i32
      scf.yield %scan3A_52 : i32
    }
    %scan3A_34 = arith.constant 125 : i32
    %barrier3A_35 = arith.constant 0 : index
    tpu.barrier barrier_id(%barrier3A_35)
    %eq3A = arith.constant 0 : i32
    %eq3A_36 = arith.cmpi eq, %arg0, %eq3A : i32
    %convert_element_type3A = arith.extui %eq3A_36 : i1 to i32
    %cond3A = arith.constant 0 : i32
    %cond3A_37 = arith.cmpi ne, %convert_element_type3A, %cond3A : i32
    scf.if %cond3A_37 {
      "tpu.region"() ({
        %run_scoped3A = tpu.sem_alloc : memref<!tpu.dma_semaphore, #tpu.memory_space<semaphore_mem>>
        %dma_start3A = arith.constant 0 : i32
        %dma_start3A_43 = tpu.memref_slice %arg5[%mul3A_9, %dma_start3A] : memref<10240x128xf32, #tpu.memory_space<hbm>> -> memref<640x128xf32, #tpu.memory_space<hbm>>
        %dma_start3A_44 = arith.constant 0 : i32
        %dma_start3A_45 = tpu.memref_slice %arg10[%mul3A_9, %dma_start3A_44] : memref<10240x128xf32, #tpu.memory_space<vmem_shared>> -> memref<640x128xf32, #tpu.memory_space<vmem_shared>>
        tpu.enqueue_dma source(%dma_start3A_45 : memref<640x128xf32, #tpu.memory_space<vmem_shared>>) target(%dma_start3A_43 : memref<640x128xf32, #tpu.memory_space<hbm>>) target_semaphore(%run_scoped3A : memref<!tpu.dma_semaphore, #tpu.memory_space<semaphore_mem>>)
        %dma_wait3A = arith.constant 0 : i32
        %dma_wait3A_46 = tpu.memref_slice %arg5[%mul3A_9, %dma_wait3A] : memref<10240x128xf32, #tpu.memory_space<hbm>> -> memref<640x128xf32, #tpu.memory_space<hbm>>
        %dma_wait3A_47 = arith.constant 0 : i32
        %dma_wait3A_48 = tpu.memref_slice %arg10[%mul3A_9, %dma_wait3A_47] : memref<10240x128xf32, #tpu.memory_space<vmem_shared>> -> memref<640x128xf32, #tpu.memory_space<vmem_shared>>
        tpu.wait_dma2 semaphore(%run_scoped3A : memref<!tpu.dma_semaphore, #tpu.memory_space<semaphore_mem>>) src(%dma_wait3A_48 : memref<640x128xf32, #tpu.memory_space<vmem_shared>>) dst(%dma_wait3A_46 : memref<640x128xf32, #tpu.memory_space<hbm>>)
        tpu.yield
      }) : () -> ()
    } else {
    }
    %eq3A_38 = arith.constant 1 : i32
    %eq3A_39 = arith.cmpi eq, %arg0, %eq3A_38 : i32
    %convert_element_type3A_40 = arith.extui %eq3A_39 : i1 to i32
    %cond3A_41 = arith.constant 0 : i32
    %cond3A_42 = arith.cmpi ne, %convert_element_type3A_40, %cond3A_41 : i32
    scf.if %cond3A_42 {
      "tpu.region"() ({
        %run_scoped3A = tpu.sem_alloc : memref<!tpu.dma_semaphore, #tpu.memory_space<semaphore_mem>>
        %dma_start3A = arith.constant 0 : i32
        %dma_start3A_43 = tpu.memref_slice %arg6[%mul3A_9, %dma_start3A] : memref<10240x128xf32, #tpu.memory_space<hbm>> -> memref<640x128xf32, #tpu.memory_space<hbm>>
        %dma_start3A_44 = arith.constant 0 : i32
        %dma_start3A_45 = tpu.memref_slice %arg10[%mul3A_9, %dma_start3A_44] : memref<10240x128xf32, #tpu.memory_space<vmem_shared>> -> memref<640x128xf32, #tpu.memory_space<vmem_shared>>
        tpu.enqueue_dma source(%dma_start3A_45 : memref<640x128xf32, #tpu.memory_space<vmem_shared>>) target(%dma_start3A_43 : memref<640x128xf32, #tpu.memory_space<hbm>>) target_semaphore(%run_scoped3A : memref<!tpu.dma_semaphore, #tpu.memory_space<semaphore_mem>>)
        %dma_wait3A = arith.constant 0 : i32
        %dma_wait3A_46 = tpu.memref_slice %arg6[%mul3A_9, %dma_wait3A] : memref<10240x128xf32, #tpu.memory_space<hbm>> -> memref<640x128xf32, #tpu.memory_space<hbm>>
        %dma_wait3A_47 = arith.constant 0 : i32
        %dma_wait3A_48 = tpu.memref_slice %arg10[%mul3A_9, %dma_wait3A_47] : memref<10240x128xf32, #tpu.memory_space<vmem_shared>> -> memref<640x128xf32, #tpu.memory_space<vmem_shared>>
        tpu.wait_dma2 semaphore(%run_scoped3A : memref<!tpu.dma_semaphore, #tpu.memory_space<semaphore_mem>>) src(%dma_wait3A_48 : memref<640x128xf32, #tpu.memory_space<vmem_shared>>) dst(%dma_wait3A_46 : memref<640x128xf32, #tpu.memory_space<hbm>>)
        tpu.yield
      }) : () -> ()
    } else {
    }
    return
  }
}

module attributes {stable_mosaic.version = 14 : i64} {
  func.func @_tc_body(%arg0: i32, %arg1: memref<2000x128xf32, #tpu.memory_space<vmem>>, %arg2: memref<2000x128xf32, #tpu.memory_space<vmem>>, %arg3: memref<2000x16xf32, #tpu.memory_space<vmem>>, %arg4: memref<2000x16xf32, #tpu.memory_space<vmem>>, %arg5: memref<2000x128xf32, #tpu.memory_space<vmem>>, %arg6: memref<128x128xf32, #tpu.memory_space<vmem>>, %arg7: memref<16x128xf32, #tpu.memory_space<vmem>>, %arg8: memref<1x128xf32, #tpu.memory_space<vmem>>, %arg9: memref<128x128xf32, #tpu.memory_space<vmem>>, %arg10: memref<128x128xf32, #tpu.memory_space<vmem>>, %arg11: memref<1x128xf32, #tpu.memory_space<vmem>>, %arg12: memref<2000x128xf32, #tpu.memory_space<vmem>>) attributes {dimension_semantics = [#tpu.dimension_semantics<arbitrary>], iteration_bounds = array<i64: 5>, scalar_prefetch = 0 : i64, scratch_operands = 0 : i64, tpu.core_type = #tpu.core_type<tc>, window_params = [{transform_indices = @transform_0, window_bounds = array<i64: 2000, 128>}, {transform_indices = @transform_1, window_bounds = array<i64: 2000, 128>}, {transform_indices = @transform_2, window_bounds = array<i64: 2000, 16>}, {transform_indices = @transform_3, window_bounds = array<i64: 2000, 16>}, {transform_indices = @transform_4, window_bounds = array<i64: 2000, 128>}, {pipeline_mode = #tpu.pipeline_mode<synchronous>, transform_indices = @transform_5, window_bounds = array<i64: 128, 128>}, {pipeline_mode = #tpu.pipeline_mode<synchronous>, transform_indices = @transform_6, window_bounds = array<i64: 16, 128>}, {pipeline_mode = #tpu.pipeline_mode<synchronous>, transform_indices = @transform_7, window_bounds = array<i64: 1, 128>}, {pipeline_mode = #tpu.pipeline_mode<synchronous>, transform_indices = @transform_8, window_bounds = array<i64: 128, 128>}, {pipeline_mode = #tpu.pipeline_mode<synchronous>, transform_indices = @transform_9, window_bounds = array<i64: 128, 128>}, {pipeline_mode = #tpu.pipeline_mode<synchronous>, transform_indices = @transform_10, window_bounds = array<i64: 1, 128>}, {transform_indices = @transform_11, window_bounds = array<i64: 2000, 128>}]} {
    %get3A = arith.constant 0 : index
    %get3A_0 = arith.constant 0 : index
    %get3A_1 = vector.load %arg1[%get3A, %get3A_0] : memref<2000x128xf32, #tpu.memory_space<vmem>>, vector<2000x128xf32>
    %get3A_2 = arith.constant 0 : index
    %get3A_3 = arith.constant 0 : index
    %get3A_4 = vector.load %arg2[%get3A_2, %get3A_3] : memref<2000x128xf32, #tpu.memory_space<vmem>>, vector<2000x128xf32>
    %add3A = arith.addf %get3A_1, %get3A_4 : vector<2000x128xf32>
    %get3A_5 = arith.constant 0 : index
    %get3A_6 = arith.constant 0 : index
    %get3A_7 = vector.load %arg4[%get3A_5, %get3A_6] : memref<2000x16xf32, #tpu.memory_space<vmem>>, vector<2000x1xf32>
    %get3A_8 = arith.constant 0 : index
    %get3A_9 = arith.constant 0 : index
    %get3A_10 = vector.load %arg6[%get3A_8, %get3A_9] : memref<128x128xf32, #tpu.memory_space<vmem>>, vector<128x128xf32>
    %dot_general3A = arith.constant dense<0.000000e+00> : vector<2000x128xf32>
    %dot_general3A_11 = tpu.matmul %add3A, %get3A_10, %dot_general3A {dimension_numbers = #tpu.dot_dimension_numbers<[1], [0], [0], [1], [0, 0, 1, 1], [], []>, precision = #tpu.contract_precision<fp32>, transpose_lhs_hint = false} : vector<2000x128xf32>, vector<128x128xf32>, vector<2000x128xf32> -> vector<2000x128xf32>
    %get3A_12 = arith.constant 0 : index
    %get3A_13 = arith.constant 0 : index
    %get3A_14 = vector.load %arg3[%get3A_12, %get3A_13] : memref<2000x16xf32, #tpu.memory_space<vmem>>, vector<2000x16xf32>
    %get3A_15 = arith.constant 0 : index
    %get3A_16 = arith.constant 0 : index
    %get3A_17 = vector.load %arg7[%get3A_15, %get3A_16] : memref<16x128xf32, #tpu.memory_space<vmem>>, vector<16x128xf32>
    %dot_general3A_18 = arith.constant dense<0.000000e+00> : vector<2000x128xf32>
    %dot_general3A_19 = tpu.matmul %get3A_14, %get3A_17, %dot_general3A_18 {dimension_numbers = #tpu.dot_dimension_numbers<[1], [0], [0], [1], [0, 0, 1, 1], [], []>, precision = #tpu.contract_precision<fp32>, transpose_lhs_hint = false} : vector<2000x16xf32>, vector<16x128xf32>, vector<2000x128xf32> -> vector<2000x128xf32>
    %add3A_20 = arith.addf %dot_general3A_11, %dot_general3A_19 : vector<2000x128xf32>
    %get3A_21 = arith.constant 0 : index
    %get3A_22 = arith.constant 0 : index
    %get3A_23 = vector.load %arg8[%get3A_21, %get3A_22] : memref<1x128xf32, #tpu.memory_space<vmem>>, vector<1x128xf32>
    %mul3A = vector.broadcast %get3A_7 : vector<2000x1xf32> to vector<2000x128xf32>
    %mul3A_24 = vector.broadcast %get3A_23 : vector<1x128xf32> to vector<2000x128xf32>
    %mul3A_25 = arith.mulf %mul3A, %mul3A_24 : vector<2000x128xf32>
    %add3A_26 = arith.addf %add3A_20, %mul3A_25 : vector<2000x128xf32>
    %max3A = arith.constant 1.000000e+00 : f32
    %max3A_27 = vector.broadcast %max3A : f32 to vector<2000x1xf32>
    %max3A_28 = arith.maximumf %get3A_7, %max3A_27 : vector<2000x1xf32>
    %div3A = vector.broadcast %max3A_28 : vector<2000x1xf32> to vector<2000x128xf32>
    %div3A_29 = arith.divf %add3A_26, %div3A : vector<2000x128xf32>
    %get3A_30 = arith.constant 0 : index
    %get3A_31 = arith.constant 0 : index
    %get3A_32 = vector.load %arg5[%get3A_30, %get3A_31] : memref<2000x128xf32, #tpu.memory_space<vmem>>, vector<2000x128xf32>
    %get3A_33 = arith.constant 0 : index
    %get3A_34 = arith.constant 0 : index
    %get3A_35 = vector.load %arg9[%get3A_33, %get3A_34] : memref<128x128xf32, #tpu.memory_space<vmem>>, vector<128x128xf32>
    %dot_general3A_36 = arith.constant dense<0.000000e+00> : vector<2000x128xf32>
    %dot_general3A_37 = tpu.matmul %get3A_32, %get3A_35, %dot_general3A_36 {dimension_numbers = #tpu.dot_dimension_numbers<[1], [0], [0], [1], [0, 0, 1, 1], [], []>, precision = #tpu.contract_precision<fp32>, transpose_lhs_hint = false} : vector<2000x128xf32>, vector<128x128xf32>, vector<2000x128xf32> -> vector<2000x128xf32>
    %get3A_38 = arith.constant 0 : index
    %get3A_39 = arith.constant 0 : index
    %get3A_40 = vector.load %arg10[%get3A_38, %get3A_39] : memref<128x128xf32, #tpu.memory_space<vmem>>, vector<128x128xf32>
    %dot_general3A_41 = arith.constant dense<0.000000e+00> : vector<2000x128xf32>
    %dot_general3A_42 = tpu.matmul %div3A_29, %get3A_40, %dot_general3A_41 {dimension_numbers = #tpu.dot_dimension_numbers<[1], [0], [0], [1], [0, 0, 1, 1], [], []>, precision = #tpu.contract_precision<fp32>, transpose_lhs_hint = false} : vector<2000x128xf32>, vector<128x128xf32>, vector<2000x128xf32> -> vector<2000x128xf32>
    %add3A_43 = arith.addf %dot_general3A_37, %dot_general3A_42 : vector<2000x128xf32>
    %get3A_44 = arith.constant 0 : index
    %get3A_45 = arith.constant 0 : index
    %get3A_46 = vector.load %arg11[%get3A_44, %get3A_45] : memref<1x128xf32, #tpu.memory_space<vmem>>, vector<1x128xf32>
    %add3A_47 = vector.broadcast %get3A_46 : vector<1x128xf32> to vector<2000x128xf32>
    %add3A_48 = arith.addf %add3A_43, %add3A_47 : vector<2000x128xf32>
    %max3A_49 = arith.constant 0.000000e+00 : f32
    %max3A_50 = vector.broadcast %max3A_49 : f32 to vector<2000x128xf32>
    %max3A_51 = arith.maximumf %add3A_48, %max3A_50 : vector<2000x128xf32>
    %swap3A = arith.constant 0 : index
    %swap3A_52 = arith.constant 0 : index
    %swap3A_53 = vector.load %arg12[%swap3A, %swap3A_52] : memref<2000x128xf32, #tpu.memory_space<vmem>>, vector<2000x128xf32>
    tpu.vector_store %arg12[%swap3A, %swap3A_52], %max3A_51 {strides = array<i32>} : memref<2000x128xf32, #tpu.memory_space<vmem>>, vector<2000x128xf32>,
    return
  }
  func.func @transform_0(%arg0: i32) -> (i32, i32) {
    %c0_i32 = arith.constant 0 : i32
    %c0_i32_0 = arith.constant 0 : i32
    return %arg0, %c0_i32 : i32, i32
  }
  func.func @transform_1(%arg0: i32) -> (i32, i32) {
    %c0_i32 = arith.constant 0 : i32
    %c0_i32_0 = arith.constant 0 : i32
    return %arg0, %c0_i32 : i32, i32
  }
  func.func @transform_2(%arg0: i32) -> (i32, i32) {
    %c0_i32 = arith.constant 0 : i32
    %c0_i32_0 = arith.constant 0 : i32
    return %arg0, %c0_i32 : i32, i32
  }
  func.func @transform_3(%arg0: i32) -> (i32, i32) {
    %c0_i32 = arith.constant 0 : i32
    %c0_i32_0 = arith.constant 0 : i32
    return %arg0, %c0_i32 : i32, i32
  }
  func.func @transform_4(%arg0: i32) -> (i32, i32) {
    %c0_i32 = arith.constant 0 : i32
    %c0_i32_0 = arith.constant 0 : i32
    return %arg0, %c0_i32 : i32, i32
  }
  func.func @transform_5(%arg0: i32) -> (i32, i32) {
    %c0_i32 = arith.constant 0 : i32
    %c0_i32_0 = arith.constant 0 : i32
    %c0_i32_1 = arith.constant 0 : i32
    return %c0_i32, %c0_i32_0 : i32, i32
  }
  func.func @transform_6(%arg0: i32) -> (i32, i32) {
    %c0_i32 = arith.constant 0 : i32
    %c0_i32_0 = arith.constant 0 : i32
    %c0_i32_1 = arith.constant 0 : i32
    return %c0_i32, %c0_i32_0 : i32, i32
  }
  func.func @transform_7(%arg0: i32) -> (i32, i32) {
    %c0_i32 = arith.constant 0 : i32
    %c0_i32_0 = arith.constant 0 : i32
    %c0_i32_1 = arith.constant 0 : i32
    return %c0_i32, %c0_i32_0 : i32, i32
  }
  func.func @transform_8(%arg0: i32) -> (i32, i32) {
    %c0_i32 = arith.constant 0 : i32
    %c0_i32_0 = arith.constant 0 : i32
    %c0_i32_1 = arith.constant 0 : i32
    return %c0_i32, %c0_i32_0 : i32, i32
  }
  func.func @transform_9(%arg0: i32) -> (i32, i32) {
    %c0_i32 = arith.constant 0 : i32
    %c0_i32_0 = arith.constant 0 : i32
    %c0_i32_1 = arith.constant 0 : i32
    return %c0_i32, %c0_i32_0 : i32, i32
  }
  func.func @transform_10(%arg0: i32) -> (i32, i32) {
    %c0_i32 = arith.constant 0 : i32
    %c0_i32_0 = arith.constant 0 : i32
    %c0_i32_1 = arith.constant 0 : i32
    return %c0_i32, %c0_i32_0 : i32, i32
  }
  func.func @transform_11(%arg0: i32) -> (i32, i32) {
    %c0_i32 = arith.constant 0 : i32
    %c0_i32_0 = arith.constant 0 : i32
    return %arg0, %c0_i32 : i32, i32
  }
}

</mosaic_0001>

<sc_bundles>
// kernel: kernel.5.cloned.1.call-start
scs
__scs_entry_jumppad:
0x0: {  	(pc) =	sbr.rel $0x88, $3  }
0x1: {  	(tag) =	ssettag $0x0;
	lr =	simm.s32 $0x1  }
0x2: {  	[smem:$0x3F9A] =	sst lr;
	_ =	strace $0xD0000000  }
0x3: {  	_ = 	snop  }
0x4: {  	_ = 	snop  }
0x5: {  	_ = 	snop  }
0x6: {  	_ = 	snop  }
0x7: {  	_ = 	snop  }
__scs_overlays_trampoline_lowered:
0x8: {  	[smem:$0x3FA9] =	sst s0  }
0x9: {  	[smem:$0x3FAA] =	sst s1  }
0xa: {  	[smem:$0x3FAB] =	sst s2  }
0xb: {  	[smem:$0x3FAC] =	sst s3  }
0xc: {  	[smem:$0x3FAD] =	sst s4  }
0xd: {  	[smem:$0x3FAE] =	sst s5  }
0xe: {  	[smem:$0x3FAF] =	sst s6  }
0xf: {  	[smem:$0x3FB0] =	sst s7  }
0x10: {  	[smem:$0x3FB1] =	sst s8  }
0x11: {  	[smem:$0x3FB2] =	sst s9;
	s0 =	simm.s32 @!p0 $0x0  }
0x12: {  	s1 =	sld [smem:$0x3F98];
	s0 =	simm.s32 @p0 $0x1  }
0x13: {  	[smem:$0x3FB3] =	sst s0;
	s0 =	simm.s32 @!p1 $0x0  }
0x14: {  	s2 =	sld [smem:$0x3F97];
	s0 =	simm.s32 @p1 $0x1  }
0x15: {  	[smem:$0x3FB4] =	sst s0;
	s0 =	simm.s32 @!p2 $0x0  }
0x16: {  	s3 =	sld [smem:$0x3FDB];
	s0 =	simm.s32 @p2 $0x1  }
0x17: {  	s4 =	simm.s32 $0x1BF5;
	[smem:$0x3FB6] =	sst s0  }
0x18: {  	s0 =	sld [smem:$0x3F99];
	_ =	swait.ge [sflag:s4], $0x0  }
0x19: {  	s7 =	sld [smem:$0x3F9A]  }
0x1a: {  	s8 =	sadd.s32 $0xFFFFE003, lr  }
0x1b: {  	s9 =	sadd.s32 $0xFFFFFEF7, lr;
	s5 =	simm.s32 $0xFFFFFFFF;
	p2 =	slt.u32 s8, $0xFFFFF086  }
0x1c: {  	p1 =	slt.u32 s9, $0xF7A;
	s5 =	simm.s32 @!p2 $0x0  }
0x1d: {  	s5 =	simm.s32 @p1 $0x1;
	p0 =	seq.s32 s7, s2  }
0x1e: {  	s7 =	smul.u32 @!p0 $0xF7A, s2;
	p2 =	seq.s32 @!p0 s5, $0x0  }
0x1f: {  	s9 =	smul.u32 $0xF7A, s1;
	s8 =	simm.s32 @!p0 $0x1BF5;
	p2 =	por !p2, p0  }
0x20: {  	[sflag:s8] =	ssyncset.s32 @!p0 $0xFFFFF086;
	s6 =	sadd.s32 @!p0 s3, s7;
	s7 =	simm.s32 @!p0 $0x108  }
0x21: {  	s3 =	sadd.s32 s3, s9;
	s6 =	sadd.s32 @!p0 $0x88, s6;
	s7 =	simm.s32 @p2 $0x1082  }
0x22: {  	[simem:s7], [sflag:s8] =	dma.local @!p0 [hbm:s6], $0xF7A  }
0x23: {  	s9 =	sor.u32 $0xD0000000, s2;
	s6 =	simm.s32 $0x108;
	_ =	swait.ge @!p0 [sflag:s8], $0x0  }
0x24: {  	s3 =	sadd.s32 $0x88, s3;
	s6 =	simm.s32 @!p1 $0x1082;
	[sflag:s4] =	ssyncset.s32 $0xFFFFF086  }
0x25: {  	[simem:s6], [sflag:s4] =	dma.local [hbm:s3], $0xF7A  }
0x26: {  	[smem:$0x3F9A] =	sst s1;
	(tag) =	ssettag s2;
	_ =	strace s9  }
0x27: {  	s1 =	sld [smem:$0x3FAA]  }
0x28: {  	s2 =	sld [smem:$0x3FAB]  }
0x29: {  	s4 =	sld [smem:$0x3FAD]  }
0x2a: {  	p0 =	seq.s32 s5, $0x0;
	s5 =	sld [smem:$0x3FAE]  }
0x2b: {  	s6 =	sld [smem:$0x3FAF]  }
0x2c: {  	s7 =	sld [smem:$0x3FB0]  }
0x2d: {  	s3 =	simm.s32 $0x108;
	s8 =	sld [smem:$0x3FB1]  }
0x2e: {  	s3 =	simm.s32 @!p0 $0x1082;
	s9 =	sld [smem:$0x3FB2]  }
0x2f: {  	lr =	sadd.s32 s0, s3;
	s0 =	sld [smem:$0x3FA9]  }
0x30: {  	s3 =	sld [smem:$0x3FAC]  }
0x31: {  	[smem:$0x3FB5] =	sst s10  }
0x32: {  	s10 =	sld [smem:$0x3FB3];
	_ =	sdelay $0x3  }
0x33: {  	p0 =	seq.s32 s10, $0x1;
	s10 =	sld [smem:$0x3FB5];
	_ =	sdelay $0x3  }
0x34: {  	[smem:$0x3FB5] =	sst s10  }
0x35: {  	s10 =	sld [smem:$0x3FB4];
	_ =	sdelay $0x3  }
0x36: {  	p1 =	seq.s32 s10, $0x1;
	s10 =	sld [smem:$0x3FB5];
	_ =	sdelay $0x3  }
0x37: {  	[smem:$0x3FB5] =	sst s10  }
0x38: {  	s10 =	sld [smem:$0x3FB6]  }
0x39: {  	_ = 	snop;
	(pc) =	sbr.ind lr, $3  }
0x3a: {  	_ = 	snop  }
0x3b: {  	_ = 	snop  }
0x3c: {  	p2 =	seq.s32 s10, $0x1;
	s10 =	sld [smem:$0x3FB5]  }
0x3d: {  	_ =	shalt  }
0x3e: {  	_ =	shalt  }
0x3f: {  	_ =	shalt  }
0x40: {  	_ =	shalt  }
0x41: {  	_ =	shalt  }
0x42: {  	_ =	shalt  }
0x43: {  	_ =	shalt  }
0x44: {  	_ =	shalt  }
0x45: {  	_ =	shalt  }
0x46: {  	_ =	shalt  }
0x47: {  	_ =	shalt  }
0x48: {  	_ =	shalt  }
0x49: {  	_ =	shalt  }
0x4a: {  	_ =	shalt  }
0x4b: {  	_ =	shalt  }
0x4c: {  	_ =	shalt  }
0x4d: {  	_ =	shalt  }
0x4e: {  	_ =	shalt  }
0x4f: {  	_ =	shalt  }
0x50: {  	_ =	shalt  }
0x51: {  	_ =	shalt  }
0x52: {  	_ =	shalt  }
0x53: {  	_ =	shalt  }
0x54: {  	_ =	shalt  }
0x55: {  	_ =	shalt  }
0x56: {  	_ =	shalt  }
0x57: {  	_ =	shalt  }
0x58: {  	_ =	shalt  }
0x59: {  	_ =	shalt  }
0x5a: {  	_ =	shalt  }
0x5b: {  	_ =	shalt  }
0x5c: {  	_ =	shalt  }
0x5d: {  	_ =	shalt  }
0x5e: {  	_ =	shalt  }
0x5f: {  	_ =	shalt  }
0x60: {  	_ =	shalt  }
0x61: {  	_ =	shalt  }
0x62: {  	_ =	shalt  }
0x63: {  	_ =	shalt  }
0x64: {  	_ =	shalt  }
0x65: {  	_ =	shalt  }
0x66: {  	_ =	shalt  }
0x67: {  	_ =	shalt  }
0x68: {  	_ =	shalt  }
0x69: {  	_ =	shalt  }
0x6a: {  	_ =	shalt  }
0x6b: {  	_ =	shalt  }
0x6c: {  	_ =	shalt  }
0x6d: {  	_ =	shalt  }
0x6e: {  	_ =	shalt  }
0x6f: {  	_ =	shalt  }
0x70: {  	_ =	shalt  }
0x71: {  	_ =	shalt  }
0x72: {  	_ =	shalt  }
0x73: {  	_ =	shalt  }
0x74: {  	_ =	shalt  }
0x75: {  	_ =	shalt  }
0x76: {  	_ =	shalt  }
0x77: {  	_ =	shalt  }
0x78: {  	_ =	shalt  }
0x79: {  	_ =	shalt  }
0x7a: {  	_ =	shalt  }
0x7b: {  	_ =	shalt  }
0x7c: {  	_ =	shalt  }
0x7d: {  	_ =	shalt  }
0x7e: {  	_ =	shalt  }
0x7f: {  	_ =	shalt  }
0x80: {  	_ =	shalt  }
0x81: {  	_ =	shalt  }
0x82: {  	_ =	shalt  }
0x83: {  	_ =	shalt  }
0x84: {  	_ =	shalt  }
0x85: {  	_ =	shalt  }
0x86: {  	_ =	shalt  }
0x87: {  	_ =	shalt  }
.Lfunc_end0:
.L_simem_size_0:
called_computation_lowered:
.L_overlay_start_0:
0x88: {  	s2 =	sld [smem:$0x3FD9]  }
0x89: {  	s3 =	sld [smem:$0x3FFE];
	_ =	sdelay $0x1  }
0x8a: {  	s1 =	srdreg.scid  }
0x8b: {  	s0 =	sand.u32 $0x1, s1  }
0x8c: {  	s17 =	sshll.u32 s0, $0xA;
	s2 =	sadd.s32 s3, s2  }
0x8d: {  	s2 =	sadd.s32 s2, s17  }
0x8e: {  	[smem:$0x3FC1] =	sst s2  }
0x8f: {  	_ = 	snop  }
0x90: {  	s2 =	sld [smem:$0x3FC9]  }
0x91: {  	s18 =	sld [smem:$0x3FD0];
	(tm) =	ssettm $0x1  }
0x92: {  	s4 =	sld [smem:$0x3FFB];
	_ =	sdelay $0x3  }
0x93: {  	_ =	strace s4  }
0x94: {  	s4 =	sld [smem:$0x3FFC];
	_ =	sdelay $0x3  }
0x95: {  	_ =	strace s4  }
0x96: {  	s4 =	sld [smem:$0x3FFD];
	_ =	sdelay $0x3  }
0x97: {  	_ =	strace s4  }
0x98: {  	_ =	strace $0x8FFFFFFF  }
0x99: {  	s19 =	sld [smem:$0x3FDB];
	_ =	sdelay $0x1  }
0x9a: {  	s5 =	simm.s32 $_scs_section_size  }
0x9b: {  	s6 =	simm.s32 $_size__tile_overlayer_lowered;
	s7 =	simm.s32 $_tile_overlayer_lowered  }
0x9c: {  	s22 =	simm.s32 $0x1BFF;
	s21 =	sshll.u32 s7, $0x1;
	s4 =	sadd.s32 s5, s19  }
0x9d: {  	s8 =	simm.s32 $0x0;
	s20 =	sshll.u32 s6, $0x1;
	s6 =	sadd.s32 s21, s4  }
0x9e: {  	[timem:s8], [sflag:s22] =	dma.local [hbm:s6], s20  }
0x9f: {  	_ =	swait.ge [sflag:s22], s20  }
0xa0: {  	s5 =	ssub.s32 $0x0, s20;
	[sflag:s22] =	ssyncset.done $0x0  }
0xa1: {  	[sflag:s22] =	ssyncadd.s32 s5;
	_ =	sdelay $0x1  }
0xa2: {  	s23 =	simm.s32 $0x1B8B  }
0xa3: {  	_ =	swait.ge [sflag:s23], $0x1  }
0xa4: {  	[sflag:s23] =	ssyncset.done $0x0  }
0xa5: {  	s25 =	simm.s32 $0x1B8E;
	s24 =	sld [smem:$0x3FFE];
	[sflag:s23] =	ssyncadd.s32 $0xFFFFFFFF  }
0xa6: {  	s26 =	simm.s32 $execute0_lowered;
	[smem:$0x3FD2] =	sst s25  }
0xa7: {  	s6 =	sshll.u32 s26, $0x1;
	_ =	strace $0x80000046;
	[dreg:$0x1] =	wrdreg $0xFFFFFFFF  }
0xa8: {  	s28 =	simm.s32 $_size_execute0_lowered;
	s4 =	sadd.s32 s4, s6;
	[dreg:$0x0] =	wrdreg $0x0  }
0xa9: {  	s6 =	sshll.u32 s28, $0x1;
	[dreg:$0x2] =	wrdreg s4  }
0xaa: {  	[dreg:$0x3] =	wrdreg s6  }
0xab: {  	[dreg:$0x4] =	wrdreg $0xC0  }
0xac: {  	_ =	task [dreg:s8], $0x5FFFF  }
0xad: {  	[dreg:$0x1] =	wrdreg $0xFFFFFFFF  }
0xae: {  	[dreg:$0x0] =	wrdreg $0x60  }
0xaf: {  	[dreg:$0x2] =	wrdreg s24  }
0xb0: {  	[dreg:$0x3] =	wrdreg s18  }
0xb1: {  	[dreg:$0x4] =	wrdreg s2  }
0xb2: {  	[dreg:$0x5] =	wrdreg $0x29000  }
0xb3: {  	[dreg:$0x6] =	wrdreg $0x9  }
0xb4: {  	_ =	task.clear_ibuf [dreg:s8], $0x7FFFF;
	_ =	strace $0x90000046  }
0xb5: {  	s29 =	simm.s32 $0x9;
	_ =	strace $0x80000048  }
0xb6: {  	_ =	swait.ge [sflag:s29], $0x1  }
0xb7: {  	[sflag:s29] =	ssyncadd.s32 $0xFFFFFFFF  }
0xb8: {  	_ =	strace $0x90000048  }
0xb9: {  	_ =	sfence  }
0xba: {  	s30 =	sld [smem:$0x0];
	_ =	sdelay $0x2  }
0xbb: {  	s31 =	sshll.u32 s1, $0xD;
	s1 =	sshrl.u32 s1, $0x2  }
0xbc: {  	s3 =	sand.u32 $0x4000, s31;
	s1 =	sadd.s32 s1, s30  }
0xbd: {  	s0 =	sor.u32 s3, s0;
	s1 =	sshll.u32 s1, $0x11  }
0xbe: {  	s0 =	sor.u32 s1, s0  }
0xbf: {  	s0 =	sadd.s32 $0x8F2B, s0  }
0xc0: {  	[sflag:s0] =	ssyncadd.remote.s32 $0x1  }
0xc1: {  	_ =	sfence.sel $0xFFFF  }
0xc2: {  	[dreg:$0x0] =	wrdreg $0xFFFFFFFF;
	(pc) =	sbr.abs _section_cstart, $3  }
0xc3: {  	[dreg:$0x1] =	wrdreg $0xFFFFFFFF  }
0xc4: {  	_ =	task.clear_ibuf [dreg:s8], $0x2FFFF;
	_ =	strace $0x9FFFFFFF  }
0xc5: {  	(tm) =	ssettm $0x7FFFFFFF  }
tec
execute0_lowered:
.L_overlay_start_1:
0x0: {  	(tag) =	ssettag $0x1  }
0x1: {  	s14 =	rddreg [dreg:$0x0]  }
0x2: {  	s15 =	rddreg [dreg:$0x1]  }
0x3: {  	s2 =	rddreg [dreg:$0x2]  }
0x4: {  	s0 =	srdreg.scid;
	s3 =	rddreg [dreg:$0x3]  }
0x5: {  	s1 =	stileid.u32;
	s4 =	simm.s32 $0x0;
	s18 =	simm.s32 $0x33A00  }
0x6: {  	s20 =	simm.s32 $0x50;
	s21 =	simm.s32 $0x1;
	s6 =	smul.u32 $0x2710, s1  }
0x7: {  	s11 =	sand.u32 $0x1, s0;
	s0 =	rddreg [dreg:$0x4];
	s7 =	smul.u32 $0x50000, s1  }
0x8: {  	s22 =	simm.s32 $0x0;
	[smem:$0x7FF] =	sst s4;
	s19 =	smul.u32 $0x2800, s1  }
0x9: {  	s5 =	smul.u32 $0x27100, s11;
	_ =	strace $0x80000047;
	s31 =	ssub.s32 $0x2, s11  }
0xa: {  	p0 =	seq.s32 s11, $0x1;
	s7 =	sshrl.u32 s7, $0x2;
	s8 =	sshrl.u32 s31, $0x1  }
0xb: {  	s18 =	simm.s32 @!p0 $0xBA00;
	s5 =	sadd.s32 s6, s5;
	s13 =	ssub.s32 s31, s8  }
0xc: {  	s16 =	sshrl.u32 s5, $0x3;
	s5 =	sadd.s32 s7, s3;
	s13 =	smax.u32 s13, $0x1  }
0xd: {  	s17 =	sadd.s32 s16, s14;
	s6 =	sadd.s32 $0x2800, s5;
	s7 =	sadd.s32 $0x5000, s5  }
0xe: {  	s8 =	sadd.s32 $0x7800, s5;
	s9 =	sadd.s32 $0xA000, s5;
	s10 =	sadd.s32 $0xC800, s5  }
0xf: {  	s11 =	sadd.s32 $0xF000, s5;
	s12 =	sadd.s32 $0x11800, s5;
	s14 =	sadd.s32 s18, s14  }
0x10: {  	s15 =	sadd.s32 s16, s15;
	s18 =	simm.s32 $0x2;
	s14 =	sadd.s32 s14, s19  }
0x11: {  	v0 =	vimm.f32 $0.0e+00;
	s16 =	sadd.s32 $0x1C00, s17;
	s17 =	simm.s32 $0x100;
	s19 =	simm.s32 $0x80  }
.LBB2_1:
0x12: {  	s23 =	sand.u32 $0xFE00, s4  }
0x13: {  	s24 =	sand.u32 $0x70, s4;
	s25 =	sshrl.u32 s23, $0x2  }
0x14: {  	s23 =	simm.s32 $0x40;
	s25 =	sor.u32 s24, s25;
	s24 =	simm.s32 $0x0  }
.LBB2_2:
0x15: {  	p0 =	sne.s32 s23, $0x9FC0  }
0x16: {  	[tilespmem:s25+$0x100] =	vst v0;
	s24 =	sadd.s32 $0x10, s24;
	s25 =	smov.u32 s23;
	s23 =	sadd.s32 $0x40, s23  }
.Ltmp0:
0x17: {  	(pc) =	sbr.rel @p0 .LBB2_2-.Ltmp0, $4  }
0x18: {  	_ = 	snop  }
0x19: {  	s25 =	sand.u32 $0xFE00, s25  }
0x1a: {  	s26 =	sand.u32 $0x70, s24;
	s25 =	sshrl.u32 s25, $0x2  }
0x1b: {  	s25 =	sor.u32 s26, s25  }
0x1c: {  	[tilespmem:s25+$0x100] =	vst v0  }
0x1d: {  	[spmem:s5] =	stream.linear.scatter [tilespmem:s17], [sflag:$0x2], $0x2800, $0x38;
	[tilespmem:$0x16900] =	vst v63  }
0x1e: {  	_ =	swait.ge [sflag:s18], $0x2800  }
0x1f: {  	[sflag:s18] =	ssyncset.done $0x0  }
0x20: {  	[sflag:s18] =	ssyncadd.s32 $0xFFFFD800  }
0x21: {  	[spmem:s6] =	stream.linear.scatter [tilespmem:s17], [sflag:$0x2], $0x2800, $0x38;
	[tilespmem:$0x16900] =	vst v63  }
0x22: {  	_ =	swait.ge [sflag:s18], $0x2800  }
0x23: {  	[sflag:s18] =	ssyncset.done $0x0  }
0x24: {  	[sflag:s18] =	ssyncadd.s32 $0xFFFFD800  }
0x25: {  	[spmem:s7] =	stream.linear.scatter [tilespmem:s17], [sflag:$0x2], $0x2800, $0x38;
	[tilespmem:$0x16900] =	vst v63  }
0x26: {  	_ =	swait.ge [sflag:s18], $0x2800  }
0x27: {  	[sflag:s18] =	ssyncset.done $0x0  }
0x28: {  	[sflag:s18] =	ssyncadd.s32 $0xFFFFD800  }
0x29: {  	[spmem:s8] =	stream.linear.scatter [tilespmem:s17], [sflag:$0x2], $0x2800, $0x38;
	[tilespmem:$0x16900] =	vst v63  }
0x2a: {  	_ =	swait.ge [sflag:s18], $0x2800  }
0x2b: {  	[sflag:s18] =	ssyncset.done $0x0  }
0x2c: {  	[sflag:s18] =	ssyncadd.s32 $0xFFFFD800  }
0x2d: {  	[spmem:s9] =	stream.linear.scatter [tilespmem:s17], [sflag:$0x2], $0x2800, $0x38;
	[tilespmem:$0x16900] =	vst v63  }
0x2e: {  	_ =	swait.ge [sflag:s18], $0x2800  }
0x2f: {  	[sflag:s18] =	ssyncset.done $0x0  }
0x30: {  	[sflag:s18] =	ssyncadd.s32 $0xFFFFD800  }
0x31: {  	[spmem:s10] =	stream.linear.scatter [tilespmem:s17], [sflag:$0x2], $0x2800, $0x38;
	[tilespmem:$0x16900] =	vst v63  }
0x32: {  	_ =	swait.ge [sflag:s18], $0x2800  }
0x33: {  	[sflag:s18] =	ssyncset.done $0x0  }
0x34: {  	[sflag:s18] =	ssyncadd.s32 $0xFFFFD800  }
0x35: {  	[spmem:s11] =	stream.linear.scatter [tilespmem:s17], [sflag:$0x2], $0x2800, $0x38;
	[tilespmem:$0x16900] =	vst v63  }
0x36: {  	_ =	swait.ge [sflag:s18], $0x2800  }
0x37: {  	[sflag:s18] =	ssyncset.done $0x0  }
0x38: {  	[sflag:s18] =	ssyncadd.s32 $0xFFFFD800  }
0x39: {  	[spmem:s12] =	stream.linear.scatter [tilespmem:s17], [sflag:$0x2], $0x2800, $0x38;
	[tilespmem:$0x16900] =	vst v63  }
0x3a: {  	_ =	swait.ge [sflag:s18], $0x2800  }
0x3b: {  	[sflag:s18] =	ssyncset.done $0x0  }
0x3c: {  	[sflag:s18] =	ssyncadd.s32 $0xFFFFD800  }
0x3d: {  	s23 =	sadd.s32 $0x0, s16;
	[bflag:$0x0] =	sbarrier.arrive $0xFFFF  }
0x3e: {  	[tilespmem:s4], [sflag:$0x2] =	stream.linear.gather [hbm4b:s23+s4], $0x50, $0x38;
	[tilespmem:$0x16900] =	vst v63  }
0x3f: {  	_ =	swait.ge [sflag:s18], $0x50  }
0x40: {  	[sflag:s18] =	ssyncset.done $0x0  }
0x41: {  	s31 =	sadd.s32 $0x0, s15;
	[sflag:s18] =	ssyncadd.s32 $0xFFFFFFB0  }
0x42: {  	[tilespmem:s19], [sflag:$0x2] =	stream.linear.gather [hbm4b:s31+s4], $0x50, $0x38;
	[tilespmem:$0x16900] =	vst v63  }
0x43: {  	_ =	swait.ge [sflag:s18], $0x50  }
0x44: {  	[sflag:s18] =	ssyncset.done $0x0  }
0x45: {  	[sflag:s18] =	ssyncadd.s32 $0xFFFFFFB0  }
0x46: {  	[tilespmem:s17], [sflag:$0x1] =	stream.indirect.gather [hbm4b:s2+s20], $0x80, s4, s20, $0xb8;
	[tilespmem:$0x16900] =	vst v63  }
0x47: {  	_ =	swait.ge [sflag:s21], $0x2800  }
0x48: {  	[sflag:s21] =	ssyncset.done $0x0  }
0x49: {  	[sflag:s21] =	ssyncadd.s32 $0xFFFFD800  }
0x4a: {  	[spmem:s3] =	stream.indirect.scatter.add.f32 [tilespmem:s17], [sflag:$0x2], $0x80, s19, s20, $0xb8;
	[tilespmem:$0x16900] =	vst v63  }
0x4b: {  	_ =	swait.ge [sflag:s18], $0x2800  }
0x4c: {  	s24 =	simm.s32 $0x14;
	s23 =	simm.s32 $0xA;
	[sflag:s18] =	ssyncset.done $0x0  }
.LBB2_4:
0x4d: {  	s25 =	sadd.s32 s23, s16  }
0x4e: {  	[sflag:s18] =	ssyncadd.s32 $0xFFFFD800;
	s26 =	smov.u32 s24;
	s28 =	sadd.s32 $0xA, s24  }
0x4f: {  	[tilespmem:s4], [sflag:$0x2] =	stream.linear.gather [hbm4b:s25+s4], $0x50, $0x38;
	[tilespmem:$0x16900] =	vst v63  }
0x50: {  	p0 =	sne.s32 s24, $0x4D8;
	_ =	swait.ge [sflag:s18], $0x50  }
0x51: {  	[sflag:s18] =	ssyncset.done $0x0  }
0x52: {  	s24 =	sadd.s32 s23, s15;
	s23 =	smov.u32 s26;
	[sflag:s18] =	ssyncadd.s32 $0xFFFFFFB0  }
0x53: {  	[tilespmem:s19], [sflag:$0x2] =	stream.linear.gather [hbm4b:s24+s4], $0x50, $0x38;
	[tilespmem:$0x16900] =	vst v63  }
0x54: {  	_ =	swait.ge [sflag:s18], $0x50  }
0x55: {  	[sflag:s18] =	ssyncset.done $0x0  }
0x56: {  	[sflag:s18] =	ssyncadd.s32 $0xFFFFFFB0  }
0x57: {  	[tilespmem:s17], [sflag:$0x1] =	stream.indirect.gather [hbm4b:s2+s20], $0x80, s4, s20, $0xb8;
	[tilespmem:$0x16900] =	vst v63  }
0x58: {  	_ =	swait.ge [sflag:s21], $0x2800  }
.Ltmp1:
0x59: {  	[sflag:s21] =	ssyncset.done $0x0;
	(pc) =	sbr.rel @p0 .LBB2_4-.Ltmp1, $4  }
0x5a: {  	[sflag:s21] =	ssyncadd.s32 $0xFFFFD800  }
0x5b: {  	[spmem:s3] =	stream.indirect.scatter.add.f32 [tilespmem:s17], [sflag:$0x2], $0x80, s19, s20, $0xb8;
	[tilespmem:$0x16900] =	vst v63  }
0x5c: {  	_ =	swait.ge [sflag:s18], $0x2800  }
0x5d: {  	s24 =	smov.u32 s28;
	[sflag:s18] =	ssyncset.done $0x0  }
0x5e: {  	s24 =	sadd.s32 s23, s16;
	[sflag:s18] =	ssyncadd.s32 $0xFFFFD800  }
0x5f: {  	[tilespmem:s4], [sflag:$0x2] =	stream.linear.gather [hbm4b:s24+s4], $0x50, $0x38;
	[tilespmem:$0x16900] =	vst v63  }
0x60: {  	_ =	swait.ge [sflag:s18], $0x50  }
0x61: {  	[sflag:s18] =	ssyncset.done $0x0  }
0x62: {  	s29 =	sadd.s32 s23, s15;
	[sflag:s18] =	ssyncadd.s32 $0xFFFFFFB0  }
0x63: {  	[tilespmem:s19], [sflag:$0x2] =	stream.linear.gather [hbm4b:s29+s4], $0x50, $0x38;
	[tilespmem:$0x16900] =	vst v63  }
0x64: {  	_ =	swait.ge [sflag:s18], $0x50  }
0x65: {  	[sflag:s18] =	ssyncset.done $0x0  }
0x66: {  	[sflag:s18] =	ssyncadd.s32 $0xFFFFFFB0  }
0x67: {  	[tilespmem:s17], [sflag:$0x1] =	stream.indirect.gather [hbm4b:s2+s20], $0x80, s4, s20, $0xb8;
	[tilespmem:$0x16900] =	vst v63  }
0x68: {  	_ =	swait.ge [sflag:s21], $0x2800  }
0x69: {  	[sflag:s21] =	ssyncset.done $0x0  }
0x6a: {  	[sflag:s21] =	ssyncadd.s32 $0xFFFFD800  }
0x6b: {  	[spmem:s3] =	stream.indirect.scatter.add.f32 [tilespmem:s17], [sflag:$0x2], $0x80, s19, s20, $0xb8;
	[tilespmem:$0x16900] =	vst v63  }
0x6c: {  	_ =	swait.ge [sflag:s18], $0x2800  }
0x6d: {  	s30 =	sshll.u32 s1, $0x6;
	s22 =	sadd.s32 $0x1, s22;
	[sflag:s18] =	ssyncset.done $0x0  }
0x6e: {  	s31 =	sshrl.u32 s5, $0x3;
	p0 =	sne.s32 s22, s13;
	[sflag:s18] =	ssyncadd.s32 $0xFFFFD800  }
.Ltmp2:
0x6f: {  	s23 =	sor.u32 $0x1C02, s30;
	[bflag:$0x0] =	sbarrier.arrive $0xFFFF;
	(pc) =	sbr.rel @p0 .LBB2_1-.Ltmp2, $4  }
0x70: {  	[hbm:s14], [sflag:s23] =	dma.local [spmem:s31], $0x2800  }
0x71: {  	_ =	swait.ge [sflag:s18], $0x2800  }
0x72: {  	[sflag:s18] =	ssyncset.done $0x0  }
0x73: {  	[sflag:s18] =	ssyncadd.s32 $0xFFFFD800  }
0x74: {  	_ =	sfence.sel $0x180000  }
0x75: {  	[bflag:$0x0] =	sbarrier.arrive $0xFFFF  }
0x76: {  	p0 =	sne.s32 s1, $0x0;
	_ =	strace $0x90000047  }
0x77: {  	s0 =	sadd.s32 @!p0 $0x100000, s0;
	[bflag:$0x2] =	sbarrier.arrive $0xFFFF  }
0x78: {  	[sflag:s0] =	ssyncadd.tile.s32 @!p0 $0x1;
	_ =	shalt  }
.Lfunc_end2:
_tile_overlayer_lowered:
.L_overlay_start_2:
0x79: {  	(tag) =	ssettag $0x2  }
0x7a: {  	s0 =	rddreg [dreg:$0x0];
	s2 =	stileid.u32  }
0x7b: {  	s1 =	rddreg [dreg:$0x1];
	p0 =	sne.s32 s2, $0x0  }
0x7c: {  	s3 =	rddreg [dreg:$0x2];
	[bflag:$0x3] =	sbarrier.arrive $0xFFFF;
	s2 =	simm.s32 @!p0 $0x1C02  }
0x7d: {  	[timem:s3], [sflag:s2] =	dma.local @!p0 [hbm:s0], s1  }
0x7e: {  	s0 =	simm.s32 @!p0 $0x2  }
0x7f: {  	_ =	swait.ge @!p0 [sflag:s0], s1  }
0x80: {  	s1 =	ssub.s32 @!p0 $0x0, s1;
	[sflag:s0] =	ssyncset.done @!p0 $0x0  }
0x81: {  	[sflag:s0] =	ssyncadd.s32 @!p0 s1  }
0x82: {  	[bflag:$0x3] =	sbarrier.arrive $0xFFFF  }
0x83: {  	_ =	shalt  }

// kernel: kernel.8.cloned.1.call-start
scs
__scs_entry_jumppad:
0x0: {  	(pc) =	sbr.rel $0x88, $3  }
0x1: {  	(tag) =	ssettag $0x0;
	lr =	simm.s32 $0x1  }
0x2: {  	[smem:$0x3F9A] =	sst lr;
	_ =	strace $0xD0000000  }
0x3: {  	_ = 	snop  }
0x4: {  	_ = 	snop  }
0x5: {  	_ = 	snop  }
0x6: {  	_ = 	snop  }
0x7: {  	_ = 	snop  }
__scs_overlays_trampoline_lowered:
0x8: {  	[smem:$0x3FA9] =	sst s0  }
0x9: {  	[smem:$0x3FAA] =	sst s1  }
0xa: {  	[smem:$0x3FAB] =	sst s2  }
0xb: {  	[smem:$0x3FAC] =	sst s3  }
0xc: {  	[smem:$0x3FAD] =	sst s4  }
0xd: {  	[smem:$0x3FAE] =	sst s5  }
0xe: {  	[smem:$0x3FAF] =	sst s6  }
0xf: {  	[smem:$0x3FB0] =	sst s7  }
0x10: {  	[smem:$0x3FB1] =	sst s8  }
0x11: {  	[smem:$0x3FB2] =	sst s9;
	s0 =	simm.s32 @!p0 $0x0  }
0x12: {  	s1 =	sld [smem:$0x3F98];
	s0 =	simm.s32 @p0 $0x1  }
0x13: {  	[smem:$0x3FB3] =	sst s0;
	s0 =	simm.s32 @!p1 $0x0  }
0x14: {  	s2 =	sld [smem:$0x3F97];
	s0 =	simm.s32 @p1 $0x1  }
0x15: {  	[smem:$0x3FB4] =	sst s0;
	s0 =	simm.s32 @!p2 $0x0  }
0x16: {  	s3 =	sld [smem:$0x3FDB];
	s0 =	simm.s32 @p2 $0x1  }
0x17: {  	s4 =	simm.s32 $0x1BF5;
	[smem:$0x3FB6] =	sst s0  }
0x18: {  	s0 =	sld [smem:$0x3F99];
	_ =	swait.ge [sflag:s4], $0x0  }
0x19: {  	s7 =	sld [smem:$0x3F9A]  }
0x1a: {  	s8 =	sadd.s32 $0xFFFFE003, lr  }
0x1b: {  	s9 =	sadd.s32 $0xFFFFFEF7, lr;
	s5 =	simm.s32 $0xFFFFFFFF;
	p2 =	slt.u32 s8, $0xFFFFF086  }
0x1c: {  	p1 =	slt.u32 s9, $0xF7A;
	s5 =	simm.s32 @!p2 $0x0  }
0x1d: {  	s5 =	simm.s32 @p1 $0x1;
	p0 =	seq.s32 s7, s2  }
0x1e: {  	s7 =	smul.u32 @!p0 $0xF7A, s2;
	p2 =	seq.s32 @!p0 s5, $0x0  }
0x1f: {  	s9 =	smul.u32 $0xF7A, s1;
	s8 =	simm.s32 @!p0 $0x1BF5;
	p2 =	por !p2, p0  }
0x20: {  	[sflag:s8] =	ssyncset.s32 @!p0 $0xFFFFF086;
	s6 =	sadd.s32 @!p0 s3, s7;
	s7 =	simm.s32 @!p0 $0x108  }
0x21: {  	s3 =	sadd.s32 s3, s9;
	s6 =	sadd.s32 @!p0 $0x88, s6;
	s7 =	simm.s32 @p2 $0x1082  }
0x22: {  	[simem:s7], [sflag:s8] =	dma.local @!p0 [hbm:s6], $0xF7A  }
0x23: {  	s9 =	sor.u32 $0xD0000000, s2;
	s6 =	simm.s32 $0x108;
	_ =	swait.ge @!p0 [sflag:s8], $0x0  }
0x24: {  	s3 =	sadd.s32 $0x88, s3;
	s6 =	simm.s32 @!p1 $0x1082;
	[sflag:s4] =	ssyncset.s32 $0xFFFFF086  }
0x25: {  	[simem:s6], [sflag:s4] =	dma.local [hbm:s3], $0xF7A  }
0x26: {  	[smem:$0x3F9A] =	sst s1;
	(tag) =	ssettag s2;
	_ =	strace s9  }
0x27: {  	s1 =	sld [smem:$0x3FAA]  }
0x28: {  	s2 =	sld [smem:$0x3FAB]  }
0x29: {  	s4 =	sld [smem:$0x3FAD]  }
0x2a: {  	p0 =	seq.s32 s5, $0x0;
	s5 =	sld [smem:$0x3FAE]  }
0x2b: {  	s6 =	sld [smem:$0x3FAF]  }
0x2c: {  	s7 =	sld [smem:$0x3FB0]  }
0x2d: {  	s3 =	simm.s32 $0x108;
	s8 =	sld [smem:$0x3FB1]  }
0x2e: {  	s3 =	simm.s32 @!p0 $0x1082;
	s9 =	sld [smem:$0x3FB2]  }
0x2f: {  	lr =	sadd.s32 s0, s3;
	s0 =	sld [smem:$0x3FA9]  }
0x30: {  	s3 =	sld [smem:$0x3FAC]  }
0x31: {  	[smem:$0x3FB5] =	sst s10  }
0x32: {  	s10 =	sld [smem:$0x3FB3];
	_ =	sdelay $0x3  }
0x33: {  	p0 =	seq.s32 s10, $0x1;
	s10 =	sld [smem:$0x3FB5];
	_ =	sdelay $0x3  }
0x34: {  	[smem:$0x3FB5] =	sst s10  }
0x35: {  	s10 =	sld [smem:$0x3FB4];
	_ =	sdelay $0x3  }
0x36: {  	p1 =	seq.s32 s10, $0x1;
	s10 =	sld [smem:$0x3FB5];
	_ =	sdelay $0x3  }
0x37: {  	[smem:$0x3FB5] =	sst s10  }
0x38: {  	s10 =	sld [smem:$0x3FB6]  }
0x39: {  	_ = 	snop;
	(pc) =	sbr.ind lr, $3  }
0x3a: {  	_ = 	snop  }
0x3b: {  	_ = 	snop  }
0x3c: {  	p2 =	seq.s32 s10, $0x1;
	s10 =	sld [smem:$0x3FB5]  }
0x3d: {  	_ =	shalt  }
0x3e: {  	_ =	shalt  }
0x3f: {  	_ =	shalt  }
0x40: {  	_ =	shalt  }
0x41: {  	_ =	shalt  }
0x42: {  	_ =	shalt  }
0x43: {  	_ =	shalt  }
0x44: {  	_ =	shalt  }
0x45: {  	_ =	shalt  }
0x46: {  	_ =	shalt  }
0x47: {  	_ =	shalt  }
0x48: {  	_ =	shalt  }
0x49: {  	_ =	shalt  }
0x4a: {  	_ =	shalt  }
0x4b: {  	_ =	shalt  }
0x4c: {  	_ =	shalt  }
0x4d: {  	_ =	shalt  }
0x4e: {  	_ =	shalt  }
0x4f: {  	_ =	shalt  }
0x50: {  	_ =	shalt  }
0x51: {  	_ =	shalt  }
0x52: {  	_ =	shalt  }
0x53: {  	_ =	shalt  }
0x54: {  	_ =	shalt  }
0x55: {  	_ =	shalt  }
0x56: {  	_ =	shalt  }
0x57: {  	_ =	shalt  }
0x58: {  	_ =	shalt  }
0x59: {  	_ =	shalt  }
0x5a: {  	_ =	shalt  }
0x5b: {  	_ =	shalt  }
0x5c: {  	_ =	shalt  }
0x5d: {  	_ =	shalt  }
0x5e: {  	_ =	shalt  }
0x5f: {  	_ =	shalt  }
0x60: {  	_ =	shalt  }
0x61: {  	_ =	shalt  }
0x62: {  	_ =	shalt  }
0x63: {  	_ =	shalt  }
0x64: {  	_ =	shalt  }
0x65: {  	_ =	shalt  }
0x66: {  	_ =	shalt  }
0x67: {  	_ =	shalt  }
0x68: {  	_ =	shalt  }
0x69: {  	_ =	shalt  }
0x6a: {  	_ =	shalt  }
0x6b: {  	_ =	shalt  }
0x6c: {  	_ =	shalt  }
0x6d: {  	_ =	shalt  }
0x6e: {  	_ =	shalt  }
0x6f: {  	_ =	shalt  }
0x70: {  	_ =	shalt  }
0x71: {  	_ =	shalt  }
0x72: {  	_ =	shalt  }
0x73: {  	_ =	shalt  }
0x74: {  	_ =	shalt  }
0x75: {  	_ =	shalt  }
0x76: {  	_ =	shalt  }
0x77: {  	_ =	shalt  }
0x78: {  	_ =	shalt  }
0x79: {  	_ =	shalt  }
0x7a: {  	_ =	shalt  }
0x7b: {  	_ =	shalt  }
0x7c: {  	_ =	shalt  }
0x7d: {  	_ =	shalt  }
0x7e: {  	_ =	shalt  }
0x7f: {  	_ =	shalt  }
0x80: {  	_ =	shalt  }
0x81: {  	_ =	shalt  }
0x82: {  	_ =	shalt  }
0x83: {  	_ =	shalt  }
0x84: {  	_ =	shalt  }
0x85: {  	_ =	shalt  }
0x86: {  	_ =	shalt  }
0x87: {  	_ =	shalt  }
.Lfunc_end0:
.L_simem_size_0:
called_computation.1_lowered:
.L_overlay_start_0:
0x88: {  	s2 =	sld [smem:$0x3FD9]  }
0x89: {  	s3 =	sld [smem:$0x3FFE];
	_ =	sdelay $0x1  }
0x8a: {  	s1 =	srdreg.scid  }
0x8b: {  	s0 =	sand.u32 $0x1, s1  }
0x8c: {  	s17 =	sshll.u32 s0, $0xA;
	s2 =	sadd.s32 s3, s2  }
0x8d: {  	s2 =	sadd.s32 s2, s17  }
0x8e: {  	[smem:$0x3FC1] =	sst s2  }
0x8f: {  	_ = 	snop  }
0x90: {  	s18 =	sld [smem:$0x3FD0];
	(tm) =	ssettm $0x1  }
0x91: {  	s19 =	sld [smem:$0x3FFB];
	_ =	sdelay $0x3  }
0x92: {  	_ =	strace s19  }
0x93: {  	s2 =	sld [smem:$0x3FFC];
	_ =	sdelay $0x3  }
0x94: {  	_ =	strace s2  }
0x95: {  	s2 =	sld [smem:$0x3FFD];
	_ =	sdelay $0x3  }
0x96: {  	_ =	strace s2  }
0x97: {  	_ =	strace $0x8FFFFFFF  }
0x98: {  	s20 =	sld [smem:$0x3FDB];
	_ =	sdelay $0x1  }
0x99: {  	s4 =	simm.s32 $_scs_section_size  }
0x9a: {  	s5 =	simm.s32 $_size__tile_overlayer_lowered;
	s6 =	simm.s32 $_tile_overlayer_lowered  }
0x9b: {  	s7 =	simm.s32 $0x1BFF;
	s21 =	sshll.u32 s6, $0x1;
	s4 =	sadd.s32 s4, s20  }
0x9c: {  	s22 =	simm.s32 $0x0;
	s5 =	sshll.u32 s5, $0x1;
	s6 =	sadd.s32 s21, s4  }
0x9d: {  	[timem:s22], [sflag:s7] =	dma.local [hbm:s6], s5  }
0x9e: {  	_ =	swait.ge [sflag:s7], s5  }
0x9f: {  	s5 =	ssub.s32 $0x0, s5;
	[sflag:s7] =	ssyncset.done $0x0  }
0xa0: {  	[sflag:s7] =	ssyncadd.s32 s5;
	_ =	sdelay $0x1  }
0xa1: {  	s23 =	simm.s32 $0x1B8B  }
0xa2: {  	_ =	swait.ge [sflag:s23], $0x1  }
0xa3: {  	[sflag:s23] =	ssyncset.done $0x0  }
0xa4: {  	[sflag:s23] =	ssyncadd.s32 $0xFFFFFFFF  }
0xa5: {  	s5 =	sld [smem:$0x0]  }
0xa6: {  	s6 =	sand.u32 $0xFFFFFFFE, s1  }
0xa7: {  	p0 =	sne.s32 s1, s6  }
0xa8: {  	s6 =	sshll.u32 @p0 s6, $0xE  }
0xa9: {  	s6 =	sadd.s32 @p0 $0x11B8D, s6;
	s7 =	sshll.u32 @p0 s5, $0x11  }
0xaa: {  	s6 =	sor.u32 @p0 s7, s6  }
0xab: {  	[sflag:s6] =	ssyncadd.remote.s32 @p0 $0x1;
	_ =	sdelay $0x1  }
0xac: {  	s6 =	simm.s32 @p0 $0x1B8D  }
0xad: {  	_ =	swait.eq @p0 [sflag:s6], $0x1  }
0xae: {  	[sflag:s6] =	ssyncadd.s32 @p0 $0xFFFFFFFF  }
0xaf: {  	s7 =	sshll.u32 @!p0 s1, $0xE  }
0xb0: {  	s7 =	sor.u32 @!p0 $0x4000, s7;
	s6 =	simm.s32 @!p0 $0x1B8D  }
0xb1: {  	s5 =	sshll.u32 @!p0 s5, $0x11;
	s7 =	sadd.s32 @!p0 $0x11B8D, s7;
	_ =	swait.eq @!p0 [sflag:s6], $0x1  }
0xb2: {  	s5 =	sor.u32 @!p0 s5, s7;
	[sflag:s6] =	ssyncadd.s32 @!p0 $0xFFFFFFFF  }
0xb3: {  	s25 =	simm.s32 $0x1B8E;
	s24 =	sld [smem:$0x3FFE];
	[sflag:s5] =	ssyncadd.remote.s32 @!p0 $0x1  }
0xb4: {  	s26 =	simm.s32 $execute0_lowered;
	[smem:$0x3FD2] =	sst s25  }
0xb5: {  	s6 =	sshll.u32 s26, $0x1;
	_ =	strace $0x80000049;
	[dreg:$0x1] =	wrdreg $0xFFFFFFFF  }
0xb6: {  	s28 =	simm.s32 $_size_execute0_lowered;
	s4 =	sadd.s32 s4, s6;
	[dreg:$0x0] =	wrdreg $0x0  }
0xb7: {  	s6 =	sshll.u32 s28, $0x1;
	[dreg:$0x2] =	wrdreg s4  }
0xb8: {  	[dreg:$0x3] =	wrdreg s6  }
0xb9: {  	[dreg:$0x4] =	wrdreg $0xC0  }
0xba: {  	_ =	task [dreg:s22], $0x5FFFF  }
0xbb: {  	[dreg:$0x1] =	wrdreg $0xFFFFFFFF  }
0xbc: {  	[dreg:$0x0] =	wrdreg $0x60  }
0xbd: {  	[dreg:$0x2] =	wrdreg s18  }
0xbe: {  	[dreg:$0x3] =	wrdreg s24  }
0xbf: {  	[dreg:$0x4] =	wrdreg $0x50800  }
0xc0: {  	[dreg:$0x5] =	wrdreg $0xA  }
0xc1: {  	_ =	task.clear_ibuf [dreg:s22], $0x6FFFF;
	_ =	strace $0x90000049  }
0xc2: {  	s29 =	simm.s32 $0xA;
	_ =	strace $0x8000004B  }
0xc3: {  	_ =	swait.ge [sflag:s29], $0x1  }
0xc4: {  	[sflag:s29] =	ssyncadd.s32 $0xFFFFFFFF  }
0xc5: {  	_ =	strace $0x9000004B  }
0xc6: {  	_ =	sfence  }
0xc7: {  	s30 =	sld [smem:$0x0];
	_ =	sdelay $0x2  }
0xc8: {  	s31 =	sshll.u32 s1, $0xD;
	s1 =	sshrl.u32 s1, $0x2  }
0xc9: {  	s4 =	sand.u32 $0x4000, s31;
	s1 =	sadd.s32 s1, s30  }
0xca: {  	s0 =	sor.u32 s4, s0;
	s1 =	sshll.u32 s1, $0x11  }
0xcb: {  	s0 =	sor.u32 s1, s0  }
0xcc: {  	s0 =	sadd.s32 $0x8F2B, s0  }
0xcd: {  	[sflag:s0] =	ssyncadd.remote.s32 $0x1  }
0xce: {  	_ =	sfence.sel $0xFFFF  }
0xcf: {  	[dreg:$0x0] =	wrdreg $0xFFFFFFFF;
	(pc) =	sbr.abs _section_cstart, $3  }
0xd0: {  	[dreg:$0x1] =	wrdreg $0xFFFFFFFF  }
0xd1: {  	_ =	task.clear_ibuf [dreg:s22], $0x2FFFF;
	_ =	strace $0x9FFFFFFF  }
0xd2: {  	(tm) =	ssettm $0x7FFFFFFF  }
0xd3: {  	_ =	shalt  }
tec
execute0_lowered:
.L_overlay_start_1:
0x0: {  	(tag) =	ssettag $0x1  }
0x1: {  	s16 =	rddreg [dreg:$0x0]  }
0x2: {  	s5 =	rddreg [dreg:$0x1]  }
0x3: {  	s2 =	rddreg [dreg:$0x2]  }
0x4: {  	s0 =	rddreg [dreg:$0x3];
	s1 =	stileid.u32;
	s3 =	simm.s32 $0x0  }
0x5: {  	s6 =	srdreg.scid;
	s20 =	simm.s32 $0x50;
	s4 =	smul.u32 $0x4E200, s1  }
0x6: {  	s21 =	simm.s32 $0x2880;
	s22 =	simm.s32 $0x0;
	s31 =	smul.u32 $0x50000, s1  }
0x7: {  	[smem:$0x7FF] =	sst s3;
	s18 =	sand.u32 $0x1, s6;
	s19 =	smul.u32 $0x9C4, s1  }
0x8: {  	s14 =	smul.u32 $0x2800, s1;
	_ =	strace $0x8000004A;
	s7 =	ssub.s32 $0x2, s18  }
0x9: {  	p0 =	sne.s32 s18, $0x0;
	s18 =	simm.s32 $0x80;
	s17 =	sadd.s32 s4, s5  }
0xa: {  	s4 =	sadd.s32 $0x53DA00, s5;
	s8 =	sshrl.u32 s7, $0x1;
	s6 =	sshrl.u32 s31, $0x2  }
.Ltmp0:
0xb: {  	s5 =	sadd.s32 $0x565A00, s5;
	s16 =	sadd.s32 s19, s16;
	(pc) =	sbr.rel .LBB2_1-.Ltmp0, $4  }
0xc: {  	s19 =	simm.s32 $0x1;
	s15 =	ssub.s32 s7, s8;
	s6 =	sadd.s32 s6, s2  }
0xd: {  	s17 =	sadd.s32 $0x5BA00, s17;
	s7 =	sadd.s32 $0x2800, s6;
	s8 =	sadd.s32 $0x5000, s6  }
0xe: {  	v0 =	vimm.f32 $0.0e+00;
	vm0 =	vcmask $0x300;
	s9 =	sadd.s32 $0x7800, s6;
	s10 =	sadd.s32 $0xA000, s6;
	s11 =	sadd.s32 $0xC800, s6  }
0xf: {  	v1 =	vsel vm0, $0x3F800000, v0;
	s12 =	sadd.s32 $0xF000, s6;
	s13 =	sadd.s32 $0x11800, s6;
	s15 =	smax.u32 s15, $0x1  }
.LBB2_11:
0x10: {  	s23 =	sadd.s32 s23, s16;
	[sflag:s19] =	ssyncadd.s32 $0xFFFFFB00  }
0x11: {  	[tilespmem:s3], [sflag:$0x1] =	stream.linear.gather [hbm4b:s23+s3], $0x50, $0x38;
	[tilespmem:$0x7880] =	vst v63  }
0x12: {  	_ =	swait.ge [sflag:s19], $0x50  }
0x13: {  	[sflag:s19] =	ssyncset.done $0x0  }
0x14: {  	[sflag:s19] =	ssyncadd.s32 $0xFFFFFFB0  }
0x15: {  	[spmem:s2] =	stream.indirect.scatter.add.f32 [tilespmem:s21], [sflag:$0x1], $0x10, s3, s20, $0xb8;
	[tilespmem:$0x7880] =	vst v63  }
0x16: {  	_ =	swait.ge [sflag:s19], $0x500  }
0x17: {  	[sflag:s19] =	ssyncset.done $0x0  }
0x18: {  	s23 =	smov.u32 s5;
	[sflag:s19] =	ssyncadd.s32 $0xFFFFFB00  }
.LBB2_12:
0x19: {  	s23 =	sadd.s32 s23, s14;
	s22 =	sadd.s32 $0x1, s22  }
0x1a: {  	s24 =	sshll.u32 s1, $0x6;
	[bflag:$0x0] =	sbarrier.arrive $0xFFFF;
	p1 =	sne.s32 s22, s15  }
.Ltmp1:
0x1b: {  	s25 =	sshrl.u32 s6, $0x3;
	s24 =	sor.u32 $0x1C01, s24;
	(pc) =	sbr.rel @!p1 .LBB2_13-.Ltmp1, $4  }
0x1c: {  	[hbm:s23], [sflag:s24] =	dma.local [spmem:s25], $0x2800  }
0x1d: {  	_ =	swait.ge [sflag:s19], $0x2800  }
0x1e: {  	[sflag:s19] =	ssyncset.done $0x0  }
0x1f: {  	[sflag:s19] =	ssyncadd.s32 $0xFFFFD800  }
.LBB2_1:
0x20: {  	s23 =	simm.s32 $0x0  }
.LBB2_2:
0x21: {  	p1 =	sne.s32 s23, $0x9E00  }
.Ltmp2:
0x22: {  	_ = 	snop;
	(pc) =	sbr.rel @p1 .LBB2_2-.Ltmp2, $3  }
0x23: {  	_ =	sdelay $0x1  }
0x24: {  	s24 =	sshra.s32 s23, $0x2  }
0x25: {  	s23 =	sadd.s32 $0x200, s23;
	[tilespmem:s24+$0x80] =	vst v0  }
0x26: {  	s23 =	simm.s32 $0x200;
	s24 =	simm.s32 $0x0  }
.LBB2_4:
0x27: {  	p1 =	sne.s32 s23, $0x9E00;
	[tilespmem:s24+$0x2880] =	vst v1;
	s24 =	smov.u32 s23;
	s23 =	sadd.s32 $0x200, s23  }
.Ltmp3:
0x28: {  	(pc) =	sbr.rel @p1 .LBB2_4-.Ltmp3, $2  }
0x29: {  	_ =	sdelay $0x2  }
0x2a: {  	s24 =	sshra.s32 s24, $0x2  }
0x2b: {  	[tilespmem:s24+$0x2880] =	vst v1  }
0x2c: {  	[spmem:s6] =	stream.linear.scatter [tilespmem:s18], [sflag:$0x1], $0x2800, $0x38;
	[tilespmem:$0x7880] =	vst v63  }
0x2d: {  	_ =	swait.ge [sflag:s19], $0x2800  }
0x2e: {  	[sflag:s19] =	ssyncset.done $0x0  }
0x2f: {  	[sflag:s19] =	ssyncadd.s32 $0xFFFFD800  }
0x30: {  	[spmem:s7] =	stream.linear.scatter [tilespmem:s18], [sflag:$0x1], $0x2800, $0x38;
	[tilespmem:$0x7880] =	vst v63  }
0x31: {  	_ =	swait.ge [sflag:s19], $0x2800  }
0x32: {  	[sflag:s19] =	ssyncset.done $0x0  }
0x33: {  	[sflag:s19] =	ssyncadd.s32 $0xFFFFD800  }
0x34: {  	[spmem:s8] =	stream.linear.scatter [tilespmem:s18], [sflag:$0x1], $0x2800, $0x38;
	[tilespmem:$0x7880] =	vst v63  }
0x35: {  	_ =	swait.ge [sflag:s19], $0x2800  }
0x36: {  	[sflag:s19] =	ssyncset.done $0x0  }
0x37: {  	[sflag:s19] =	ssyncadd.s32 $0xFFFFD800  }
0x38: {  	[spmem:s9] =	stream.linear.scatter [tilespmem:s18], [sflag:$0x1], $0x2800, $0x38;
	[tilespmem:$0x7880] =	vst v63  }
0x39: {  	_ =	swait.ge [sflag:s19], $0x2800  }
0x3a: {  	[sflag:s19] =	ssyncset.done $0x0  }
0x3b: {  	[sflag:s19] =	ssyncadd.s32 $0xFFFFD800  }
0x3c: {  	[spmem:s10] =	stream.linear.scatter [tilespmem:s18], [sflag:$0x1], $0x2800, $0x38;
	[tilespmem:$0x7880] =	vst v63  }
0x3d: {  	_ =	swait.ge [sflag:s19], $0x2800  }
0x3e: {  	[sflag:s19] =	ssyncset.done $0x0  }
0x3f: {  	[sflag:s19] =	ssyncadd.s32 $0xFFFFD800  }
0x40: {  	[spmem:s11] =	stream.linear.scatter [tilespmem:s18], [sflag:$0x1], $0x2800, $0x38;
	[tilespmem:$0x7880] =	vst v63  }
0x41: {  	_ =	swait.ge [sflag:s19], $0x2800  }
0x42: {  	[sflag:s19] =	ssyncset.done $0x0  }
0x43: {  	[sflag:s19] =	ssyncadd.s32 $0xFFFFD800  }
0x44: {  	[spmem:s12] =	stream.linear.scatter [tilespmem:s18], [sflag:$0x1], $0x2800, $0x38;
	[tilespmem:$0x7880] =	vst v63  }
0x45: {  	_ =	swait.ge [sflag:s19], $0x2800  }
0x46: {  	[sflag:s19] =	ssyncset.done $0x0  }
0x47: {  	[sflag:s19] =	ssyncadd.s32 $0xFFFFD800  }
0x48: {  	[spmem:s13] =	stream.linear.scatter [tilespmem:s18], [sflag:$0x1], $0x2800, $0x38;
	[tilespmem:$0x7880] =	vst v63  }
.Ltmp4:
0x49: {  	_ =	swait.ge [sflag:s19], $0x2800;
	(pc) =	sbr.rel @p0 .LBB2_9-.Ltmp4, $4  }
0x4a: {  	[sflag:s19] =	ssyncset.done $0x0  }
0x4b: {  	[sflag:s19] =	ssyncadd.s32 $0xFFFFD800  }
0x4c: {  	[bflag:$0x0] =	sbarrier.arrive $0xFFFF  }
0x4d: {  	s23 =	sadd.s32 $0x0, s16  }
0x4e: {  	[tilespmem:s3], [sflag:$0x1] =	stream.linear.gather [hbm4b:s23+s3], $0x50, $0x38;
	[tilespmem:$0x7880] =	vst v63  }
0x4f: {  	_ =	swait.ge [sflag:s19], $0x50  }
0x50: {  	[sflag:s19] =	ssyncset.done $0x0  }
0x51: {  	[sflag:s19] =	ssyncadd.s32 $0xFFFFFFB0  }
0x52: {  	[tilespmem:s18], [sflag:$0x1] =	stream.linear.gather [hbm4b:s17+s3], $0x2800, $0x38;
	[tilespmem:$0x7880] =	vst v63  }
0x53: {  	_ =	swait.ge [sflag:s19], $0x2800  }
0x54: {  	[sflag:s19] =	ssyncset.done $0x0  }
0x55: {  	[sflag:s19] =	ssyncadd.s32 $0xFFFFD800  }
0x56: {  	[spmem:s2] =	stream.indirect.scatter.add.f32 [tilespmem:s18], [sflag:$0x1], $0x10, s3, s20, $0xb8;
	[tilespmem:$0x7880] =	vst v63  }
0x57: {  	s24 =	simm.s32 $0xA;
	_ =	swait.ge [sflag:s19], $0x500  }
0x58: {  	s25 =	simm.s32 $0x14;
	s23 =	sadd.s32 $0x500, s17;
	[sflag:s19] =	ssyncset.done $0x0  }
.LBB2_7:
0x59: {  	s26 =	sadd.s32 s24, s16  }
0x5a: {  	[sflag:s19] =	ssyncadd.s32 $0xFFFFFB00;
	s24 =	smov.u32 s25;
	s28 =	sadd.s32 $0xA, s25  }
0x5b: {  	[tilespmem:s3], [sflag:$0x1] =	stream.linear.gather [hbm4b:s26+s3], $0x50, $0x38;
	[tilespmem:$0x7880] =	vst v63  }
0x5c: {  	p1 =	seq.s32 s25, $0x9BA;
	_ =	swait.ge [sflag:s19], $0x50  }
0x5d: {  	[sflag:s19] =	ssyncset.done $0x0  }
0x5e: {  	[sflag:s19] =	ssyncadd.s32 $0xFFFFFFB0  }
0x5f: {  	[tilespmem:s18], [sflag:$0x1] =	stream.linear.gather [hbm4b:s23+s3], $0x2800, $0x38;
	[tilespmem:$0x7880] =	vst v63  }
0x60: {  	_ =	swait.ge [sflag:s19], $0x2800  }
.Ltmp5:
0x61: {  	[sflag:s19] =	ssyncset.done $0x0;
	(pc) =	sbr.rel @!p1 .LBB2_7-.Ltmp5, $4  }
0x62: {  	[sflag:s19] =	ssyncadd.s32 $0xFFFFD800  }
0x63: {  	[spmem:s2] =	stream.indirect.scatter.add.f32 [tilespmem:s18], [sflag:$0x1], $0x10, s3, s20, $0xb8;
	[tilespmem:$0x7880] =	vst v63  }
0x64: {  	_ =	swait.ge [sflag:s19], $0x500  }
0x65: {  	s25 =	smov.u32 s28;
	s23 =	sadd.s32 $0x500, s23;
	[sflag:s19] =	ssyncset.done $0x0  }
0x66: {  	s24 =	sadd.s32 s24, s16;
	[sflag:s19] =	ssyncadd.s32 $0xFFFFFB00  }
0x67: {  	[tilespmem:s3], [sflag:$0x1] =	stream.linear.gather [hbm4b:s24+s3], $0x50, $0x38;
	[tilespmem:$0x7880] =	vst v63  }
0x68: {  	_ =	swait.ge [sflag:s19], $0x50  }
0x69: {  	[sflag:s19] =	ssyncset.done $0x0  }
0x6a: {  	[sflag:s19] =	ssyncadd.s32 $0xFFFFFFB0  }
0x6b: {  	[tilespmem:s18], [sflag:$0x1] =	stream.linear.gather [hbm4b:s23+s3], $0x2800, $0x38;
	[tilespmem:$0x7880] =	vst v63  }
0x6c: {  	_ =	swait.ge [sflag:s19], $0x2800  }
0x6d: {  	[sflag:s19] =	ssyncset.done $0x0  }
.Ltmp6:
0x6e: {  	[sflag:s19] =	ssyncadd.s32 $0xFFFFD800;
	(pc) =	sbr.rel .LBB2_12-.Ltmp6, $4  }
0x6f: {  	[spmem:s2] =	stream.indirect.scatter.add.f32 [tilespmem:s18], [sflag:$0x1], $0x10, s3, s20, $0xb8;
	[tilespmem:$0x7880] =	vst v63  }
0x70: {  	_ =	swait.ge [sflag:s19], $0x500  }
0x71: {  	[sflag:s19] =	ssyncset.done $0x0  }
0x72: {  	s23 =	smov.u32 s4;
	[sflag:s19] =	ssyncadd.s32 $0xFFFFFB00  }
.LBB2_9:
0x73: {  	[tilespmem:s3], [sflag:$0x1] =	stream.linear.gather [hbm4b:s23+s3], $0x50, $0x38;
	[tilespmem:$0x7880] =	vst v63  }
0x74: {  	_ =	swait.ge [sflag:s19], $0x50  }
0x75: {  	[sflag:s19] =	ssyncset.done $0x0  }
0x76: {  	[sflag:s19] =	ssyncadd.s32 $0xFFFFFFB0  }
0x77: {  	[spmem:s2] =	stream.indirect.scatter.add.f32 [tilespmem:s21], [sflag:$0x1], $0x10, s3, s20, $0xb8;
	[tilespmem:$0x7880] =	vst v63  }
0x78: {  	_ =	swait.ge [sflag:s19], $0x500  }
0x79: {  	s23 =	simm.s32 $0xA;
	s24 =	simm.s32 $0x14;
	[sflag:s19] =	ssyncset.done $0x0  }
.LBB2_10:
0x7a: {  	s25 =	sadd.s32 s23, s16  }
0x7b: {  	[sflag:s19] =	ssyncadd.s32 $0xFFFFFB00;
	s23 =	smov.u32 s24;
	s26 =	sadd.s32 $0xA, s24  }
0x7c: {  	[tilespmem:s3], [sflag:$0x1] =	stream.linear.gather [hbm4b:s25+s3], $0x50, $0x38;
	[tilespmem:$0x7880] =	vst v63  }
0x7d: {  	p1 =	sne.s32 s24, $0x9BA;
	_ =	swait.ge [sflag:s19], $0x50  }
.Ltmp7:
0x7e: {  	[sflag:s19] =	ssyncset.done $0x0;
	(pc) =	sbr.rel @p1 .LBB2_10-.Ltmp7, $4  }
0x7f: {  	[sflag:s19] =	ssyncadd.s32 $0xFFFFFFB0  }
0x80: {  	[spmem:s2] =	stream.indirect.scatter.add.f32 [tilespmem:s21], [sflag:$0x1], $0x10, s3, s20, $0xb8;
	[tilespmem:$0x7880] =	vst v63  }
0x81: {  	_ =	swait.ge [sflag:s19], $0x500  }
0x82: {  	s24 =	smov.u32 s26;
	[sflag:s19] =	ssyncset.done $0x0  }
.Ltmp8:
0x83: {  	_ = 	snop;
	(pc) =	sbr.rel .LBB2_11-.Ltmp8, $1  }
0x84: {  	_ =	sdelay $0x3  }
.LBB2_13:
0x85: {  	_ =	sfence.sel $0x180000  }
0x86: {  	[bflag:$0x0] =	sbarrier.arrive $0xFFFF  }
0x87: {  	p0 =	sne.s32 s1, $0x0;
	_ =	strace $0x9000004A  }
0x88: {  	s0 =	sadd.s32 @!p0 $0x100000, s0;
	[bflag:$0x2] =	sbarrier.arrive $0xFFFF  }
0x89: {  	[sflag:s0] =	ssyncadd.tile.s32 @!p0 $0x1;
	_ =	shalt  }
.Lfunc_end2:
_tile_overlayer_lowered:
.L_overlay_start_2:
0x8a: {  	(tag) =	ssettag $0x2  }
0x8b: {  	s0 =	rddreg [dreg:$0x0];
	s2 =	stileid.u32  }
0x8c: {  	s1 =	rddreg [dreg:$0x1];
	p0 =	sne.s32 s2, $0x0  }
0x8d: {  	s3 =	rddreg [dreg:$0x2];
	[bflag:$0x3] =	sbarrier.arrive $0xFFFF;
	s2 =	simm.s32 @!p0 $0x1C01  }
0x8e: {  	[timem:s3], [sflag:s2] =	dma.local @!p0 [hbm:s0], s1  }
0x8f: {  	s0 =	simm.s32 @!p0 $0x1  }
0x90: {  	_ =	swait.ge @!p0 [sflag:s0], s1  }
0x91: {  	s1 =	ssub.s32 @!p0 $0x0, s1;
	[sflag:s0] =	ssyncset.done @!p0 $0x0  }
0x92: {  	[sflag:s0] =	ssyncadd.s32 @!p0 s1  }
0x93: {  	[bflag:$0x3] =	sbarrier.arrive $0xFFFF  }
0x94: {  	_ =	shalt  }

</sc_bundles>
